<compile_context>
chip_gen: v7x
topology: tpu7x:2x2x1
jax: 0.10.2.dev20260603
libtpu: 0.0.44.dev20260713+nightly
codegen_flags: <defaults>
</compile_context>

<pallas_src>
import functools

import jax
import jax.numpy as jnp
from jax import lax
from jax.experimental import pallas as pl
from jax.experimental.pallas import tpu as pltpu
from jax.experimental.pallas import tpu_sc as plsc

E = 1600000
N = 100000
H = 4
DH = 8
G = 20000

NC = 2
NS = 16
NW = NC * NS

C = 2048
EP = 25 * NW * C
EW = EP // NW
NCH = EW // C
N4P = 102400
GP = 32768
GPW = GP // NS

_BE = 6400


def _tc_w_body(a_ref, w1b_ref, b1t_ref, w2v_ref, c_ref, w_ref):
    x = a_ref[...]
    h = jnp.dot(x, w1b_ref[...], preferred_element_type=jnp.float32)
    h = h + b1t_ref[...]
    h = jnp.where(h >= 0.0, h, 0.01 * h)
    att = jnp.dot(h, w2v_ref[...], preferred_element_type=jnp.float32)
    att = att + c_ref[0, 0]
    w_ref[...] = att.T[None]


def _tc_w(a2, w1b, b1t, w2v, c_arr):
    grid = (E // _BE,)
    return pl.pallas_call(
        _tc_w_body,
        grid=grid,
        in_specs=[
            pl.BlockSpec((_BE, H * DH), lambda i: (i, 0)),
            pl.BlockSpec((H * DH, 16), lambda i: (0, 0)),
            pl.BlockSpec((1, 16), lambda i: (0, 0)),
            pl.BlockSpec((16, 1), lambda i: (0, 0)),
            pl.BlockSpec((1, 1), lambda i: (0, 0)),
        ],
        out_specs=pl.BlockSpec((1, 1, _BE), lambda i: (i, 0, 0)),
        out_shape=jax.ShapeDtypeStruct((E // _BE, 1, _BE), jnp.float32),
    )(a2, w1b, b1t, w2v, c_arr)


def _sc_body(src_hbm, dst_hbm, w_hbm, posx_hbm, posy_hbm, posz_hbm,
             gen_hbm, out_hbm,
             srcv, dstv, wv, xsS, ysS, zsS, xsD, ysD, zsD, cx, cy, cz,
             gidx, zbuf, posx_sh, posy_sh, posz_sh, ax_sh, ay_sh, az_sh, sem):
    c = lax.axis_index("c")
    s = lax.axis_index("s")
    wid = s * NC + c

    zeros16 = jnp.zeros((16,), jnp.float32)

    rows_per_sub = N4P // NS
    sub0 = pl.multiple_of(s * rows_per_sub, 128)
    for hbm, sh in ((posx_hbm, posx_sh), (posy_hbm, posy_sh),
                    (posz_hbm, posz_sh)):
        pltpu.sync_copy(hbm.at[pl.ds(sub0, rows_per_sub)],
                        sh.at[pl.ds(sub0, rows_per_sub)])

    def _zb(i, carry):
        zbuf[pl.ds(i * 16, 16)] = zeros16
        return carry
    lax.fori_loop(0, 40, _zb, None)
    for sh in (ax_sh, ay_sh, az_sh):
        def _za(i, carry, sh=sh):
            pltpu.sync_copy(
                zbuf, sh.at[pl.ds(pl.multiple_of(sub0 + i * 640, 128), 640)])
            return carry
        lax.fori_loop(0, rows_per_sub // 640, _za, None)
    plsc.subcore_barrier()

    magic = jnp.int32(0x5F3759DF)

    def _grp(g, carry):
        o16 = g * 16
        xs = xsS[pl.ds(o16, 16)]
        ys = ysS[pl.ds(o16, 16)]
        zs = zsS[pl.ds(o16, 16)]
        xd = xsD[pl.ds(o16, 16)]
        yd = ysD[pl.ds(o16, 16)]
        zd = zsD[pl.ds(o16, 16)]
        w16 = wv[pl.ds(o16, 16)]
        dx = xs - xd
        dy = ys - yd
        dz = zs - zd
        nsq = dx * dx + dy * dy + dz * dz
        ii = plsc.bitcast(nsq, jnp.int32)
        y = plsc.bitcast(magic - (ii >> 1), jnp.float32)
        xh = 0.5 * nsq
        y = y * (1.5 - xh * y * y)
        y = y * (1.5 - xh * y * y)
        y = y * (1.5 - xh * y * y)
        norm = nsq * y
        scale = w16 / (norm + 1e-6)
        cx[pl.ds(o16, 16)] = dx * scale
        cy[pl.ds(o16, 16)] = dy * scale
        cz[pl.ds(o16, 16)] = dz * scale
        return carry

    def _chunk(ch, carry):
        off = pl.multiple_of(wid * EW + ch * C, 128)
        pltpu.sync_copy(src_hbm.at[pl.ds(off, C)], srcv)
        pltpu.sync_copy(dst_hbm.at[pl.ds(off, C)], dstv)
        pltpu.sync_copy(w_hbm.at[pl.ds(off, C)], wv)
        descs = [
            pltpu.async_copy(posx_sh.at[srcv], xsS, sem),
            pltpu.async_copy(posy_sh.at[srcv], ysS, sem),
            pltpu.async_copy(posz_sh.at[srcv], zsS, sem),
            pltpu.async_copy(posx_sh.at[dstv], xsD, sem),
            pltpu.async_copy(posy_sh.at[dstv], ysD, sem),
            pltpu.async_copy(posz_sh.at[dstv], zsD, sem),
        ]
        for d in descs:
            d.wait()

        lax.fori_loop(0, C // 16, _grp, None)

        sdescs = [
            pltpu.async_copy(cx, ax_sh.at[srcv], sem, add=True),
            pltpu.async_copy(cy, ay_sh.at[srcv], sem, add=True),
            pltpu.async_copy(cz, az_sh.at[srcv], sem, add=True),
        ]
        for d in sdescs:
            d.wait()
        return carry
    lax.fori_loop(0, NCH, _chunk, None)
    plsc.subcore_barrier()

    g0 = pl.multiple_of(s * GPW, 128)
    pltpu.sync_copy(gen_hbm.at[pl.ds(g0, GPW)], gidx)
    descs = [
        pltpu.async_copy(ax_sh.at[gidx], xsS, sem),
        pltpu.async_copy(ay_sh.at[gidx], ysS, sem),
        pltpu.async_copy(az_sh.at[gidx], zsS, sem),
    ]
    for d in descs:
        d.wait()

    def _wr(p, k, buf):
        base = pl.multiple_of((p * 3 + k) * GP + g0, 128)
        pltpu.sync_copy(buf, out_hbm.at[pl.ds(base, GPW)])

    @pl.when(c == 0)
    def _():
        _wr(0, 0, xsS)
        _wr(0, 1, ysS)
        _wr(0, 2, zsS)
        pdescs = [
            pltpu.async_copy(posx_sh.at[gidx], xsD, sem),
            pltpu.async_copy(posy_sh.at[gidx], ysD, sem),
            pltpu.async_copy(posz_sh.at[gidx], zsD, sem),
        ]
        for d in pdescs:
            d.wait()
        _wr(2, 0, xsD)
        _wr(2, 1, ysD)
        _wr(2, 2, zsD)

    @pl.when(c == 1)
    def _():
        _wr(1, 0, xsS)
        _wr(1, 1, ysS)
        _wr(1, 2, zsS)


_V1 = lambda dt: pltpu.VMEM((C,), dt)

_sc_kernel = pl.kernel(
    _sc_body,
    out_type=jax.ShapeDtypeStruct((3 * 3 * GP,), jnp.float32),
    mesh=plsc.VectorSubcoreMesh(core_axis_name="c", subcore_axis_name="s",
                                num_cores=NC, num_subcores=NS),
    compiler_params=pltpu.CompilerParams(needs_layout_passes=False),
    scratch_types=[
        _V1(jnp.int32),
        _V1(jnp.int32),
        _V1(jnp.float32),
        _V1(jnp.float32),
        _V1(jnp.float32),
        _V1(jnp.float32),
        _V1(jnp.float32),
        _V1(jnp.float32),
        _V1(jnp.float32),
        _V1(jnp.float32),
        _V1(jnp.float32),
        _V1(jnp.float32),
        _V1(jnp.int32),
        pltpu.VMEM((640,), jnp.float32),
        pltpu.VMEM_SHARED((N4P,), jnp.float32),
        pltpu.VMEM_SHARED((N4P,), jnp.float32),
        pltpu.VMEM_SHARED((N4P,), jnp.float32),
        pltpu.VMEM_SHARED((N4P,), jnp.float32),
        pltpu.VMEM_SHARED((N4P,), jnp.float32),
        pltpu.VMEM_SHARED((N4P,), jnp.float32),
        pltpu.SemaphoreType.DMA,
    ],
)


def kernel(a_ij, pos, generate_node_dist, edge_index, parent_node_idxes,
           generate_node_idxes, mask_edge_inv, pro_nodes_num,
           W1, b1, W2, b2, W3):
    src = edge_index[0].astype(jnp.int32)
    dst = edge_index[1].astype(jnp.int32)

    a2 = a_ij.reshape(E, H * DH)
    w1b = jnp.kron(jnp.eye(H, dtype=jnp.float32), W1.T)
    b1t = jnp.tile(b1, H).reshape(1, 16)
    w2v = jnp.kron(W3[0], W2[0]).reshape(16, 1)
    c_arr = (b2[0] * jnp.sum(W3)).reshape(1, 1)
    att = _tc_w(a2, w1b, b1t, w2v, c_arr).reshape(E)

    keepmask = ((src >= pro_nodes_num) & ~mask_edge_inv[:, 0]).astype(jnp.float32)
    w_flat = att * keepmask

    src_p = jnp.concatenate([src, jnp.full((EP - E,), N, jnp.int32)])
    dst_p = jnp.concatenate([dst, jnp.full((EP - E,), N, jnp.int32)])
    w_p = jnp.concatenate([w_flat, jnp.zeros((EP - E,), jnp.float32)])
    posx = jnp.pad(pos[:, 0], (0, N4P - N))
    posy = jnp.pad(pos[:, 1], (0, N4P - N))
    posz = jnp.pad(pos[:, 2], (0, N4P - N))
    gen_p = jnp.concatenate(
        [generate_node_idxes.astype(jnp.int32),
         jnp.full((GP - G,), N, jnp.int32)])

    parts = _sc_kernel(src_p, dst_p, w_p, posx, posy, posz,
                       gen_p).reshape(3, 3, GP)
    planes = parts.sum(axis=0)
    return planes[:, :G].T

# --- scband reference (transcript-rebuilt; emitter-appended) ---
"""Pipeline reference for scband-coords-update-38749194944929 (READ-ONLY COPY).

The authoritative reference and input builder live on the scoring server;
editing this copy changes nothing except your own understanding.
"""

import jax, jax.numpy as jnp
import numpy as np

N = 100000
E = 1600000
H = 4
DH = 8
G = 20000
PRO = 50000


def setup_inputs(seed: int = 0) -> dict:
    key = jax.random.key(seed)
    ks = jax.random.split(key, 12)
    a_ij = jax.random.normal(ks[0], (E, H, DH), dtype=jnp.float32)
    pos = jax.random.normal(ks[1], (N, 3), dtype=jnp.float32)
    generate_node_dist = jax.random.normal(ks[2], (G,), dtype=jnp.float32)
    edge_index = jax.random.randint(ks[3], (2, E), 0, N)
    parent_node_idxes = jax.random.randint(ks[4], (G,), 0, N)
    generate_node_idxes = jax.random.randint(ks[5], (G,), 0, N)
    mask_edge_inv = jax.random.randint(ks[6], (E, 1), 0, 2).astype(bool)
    # learned params (eval mode: dropout = identity)
    W1 = jax.random.normal(ks[7], (DH // 2, DH), dtype=jnp.float32) / np.sqrt(DH)
    b1 = jnp.zeros((DH // 2,), dtype=jnp.float32)
    W2 = jax.random.normal(ks[8], (1, DH // 2), dtype=jnp.float32) / np.sqrt(DH // 2)
    b2 = jnp.zeros((1,), dtype=jnp.float32)
    W3 = jax.random.normal(ks[9], (1, H), dtype=jnp.float32) / np.sqrt(H)
    return {"a_ij": a_ij, "pos": pos, "generate_node_dist": generate_node_dist,
            "edge_index": edge_index, "parent_node_idxes": parent_node_idxes,
            "generate_node_idxes": generate_node_idxes, "mask_edge_inv": mask_edge_inv,
            "pro_nodes_num": PRO, "W1": W1, "b1": b1, "W2": W2, "b2": b2, "W3": W3}


def reference(a_ij, pos, generate_node_dist, edge_index, parent_node_idxes,
              generate_node_idxes, mask_edge_inv, pro_nodes_num,
              W1, b1, W2, b2, W3):
    # Original torch code boolean-filters edges with src >= pro_nodes_num and then
    # scatter-adds only those edges. Equivalent fixed-shape form: compute per-edge
    # contributions for all edges and zero out the dropped ones before scatter-add.
    src = edge_index[0]
    dst = edge_index[1]
    keep = (src >= pro_nodes_num)
    # delta_x = normalize(pos[src] - pos[dst])
    dx = pos[src] - pos[dst]
    nsq = jnp.sum(dx * dx, axis=-1, keepdims=True)
    norm = jnp.where(nsq > 0, jnp.sqrt(jnp.where(nsq > 0, nsq, 1.0)), 0.0)
    dx = dx / (norm + 1e-6)
    # delta_x[mask_edge_inv] = 0
    dx = jnp.where(mask_edge_inv, 0.0, dx)
    # attention2deltax: Linear(DH, DH//2) -> Dropout(eval: identity) -> LeakyReLU -> Linear(DH//2, 1)
    h = jnp.einsum('ehd,od->eho', a_ij, W1) + b1
    h = jax.nn.leaky_relu(h, negative_slope=0.01)
    h = jnp.einsum('ehd,od->eho', h, W2) + b2
    h = h[..., 0]                      # [E, H]
    att = h @ W3.T                     # [E, 1] weighted_head_layer (no bias)
    dx = dx * att * keep[:, None].astype(dx.dtype)
    # scatter-add into node space (dim_size = pos.shape[0])
    agg = jnp.zeros_like(pos).at[src].add(dx)
    delta = agg[generate_node_idxes]
    return pos[generate_node_idxes, :] + delta

if __name__ == "__main__":
    import jax
    _d = setup_inputs()
    print(jax.jit(kernel)(*tuple(_d.values())))

</pallas_src>

<mosaic_0001>
#map = affine_map<(d0, d1) -> (0)>
module attributes {stable_mosaic.version = 14 : i64} {
  func.func @_sc_body(%arg0: i32, %arg1: i32, %arg2: memref<1638400xi32, #tpu.memory_space<hbm>>, %arg3: memref<1638400xi32, #tpu.memory_space<hbm>>, %arg4: memref<1638400xf32, #tpu.memory_space<hbm>>, %arg5: memref<102400xf32, #tpu.memory_space<hbm>>, %arg6: memref<102400xf32, #tpu.memory_space<hbm>>, %arg7: memref<102400xf32, #tpu.memory_space<hbm>>, %arg8: memref<32768xi32, #tpu.memory_space<hbm>>, %arg9: memref<294912xf32, #tpu.memory_space<hbm>>, %arg10: memref<2048xi32, #tpu.memory_space<vmem>>, %arg11: memref<2048xi32, #tpu.memory_space<vmem>>, %arg12: memref<2048xf32, #tpu.memory_space<vmem>>, %arg13: memref<2048xf32, #tpu.memory_space<vmem>>, %arg14: memref<2048xf32, #tpu.memory_space<vmem>>, %arg15: memref<2048xf32, #tpu.memory_space<vmem>>, %arg16: memref<2048xf32, #tpu.memory_space<vmem>>, %arg17: memref<2048xf32, #tpu.memory_space<vmem>>, %arg18: memref<2048xf32, #tpu.memory_space<vmem>>, %arg19: memref<2048xf32, #tpu.memory_space<vmem>>, %arg20: memref<2048xf32, #tpu.memory_space<vmem>>, %arg21: memref<2048xf32, #tpu.memory_space<vmem>>, %arg22: memref<2048xi32, #tpu.memory_space<vmem>>, %arg23: memref<640xf32, #tpu.memory_space<vmem>>, %arg24: memref<102400xf32, #tpu.memory_space<vmem_shared>>, %arg25: memref<102400xf32, #tpu.memory_space<vmem_shared>>, %arg26: memref<102400xf32, #tpu.memory_space<vmem_shared>>, %arg27: memref<102400xf32, #tpu.memory_space<vmem_shared>>, %arg28: memref<102400xf32, #tpu.memory_space<vmem_shared>>, %arg29: memref<102400xf32, #tpu.memory_space<vmem_shared>>, %arg30: memref<!tpu.dma_semaphore, #tpu.memory_space<semaphore_mem>>) attributes {dimension_semantics = [#tpu.dimension_semantics<core_parallel>, #tpu.dimension_semantics<subcore_parallel>], iteration_bounds = array<i64: 2, 16>, scalar_prefetch = 0 : i64, scratch_operands = 21 : i64, tpu.core_type = #tpu.core_type<sc_vector_subcore>, window_params = [{transform_indices = #map}, {transform_indices = #map}, {transform_indices = #map}, {transform_indices = #map}, {transform_indices = #map}, {transform_indices = #map}, {transform_indices = #map}, {transform_indices = #map}]} {
    %mul3A = arith.constant 2 : i32
    %mul3A_0 = arith.muli %arg1, %mul3A : i32
    %add3A = arith.addi %mul3A_0, %arg0 : i32
    %broadcast_in_dim3A = arith.constant 0.000000e+00 : f32
    %broadcast_in_dim3A_1 = vector.broadcast %broadcast_in_dim3A : f32 to vector<16xf32>
    %mul3A_2 = arith.constant 6400 : i32
    %mul3A_3 = arith.muli %arg1, %mul3A_2 : i32
    %multiple_of3A = tpu.assume_multiple %mul3A_3, 128 : i32
    "tpu.region"() ({
      %run_scoped3A = tpu.sem_alloc : memref<!tpu.dma_semaphore, #tpu.memory_space<semaphore_mem>>
      %dma_start3A_50 = tpu.memref_slice %arg24[%multiple_of3A] : memref<102400xf32, #tpu.memory_space<vmem_shared>> -> memref<6400xf32, #tpu.memory_space<vmem_shared>>
      %dma_start3A_51 = tpu.memref_slice %arg5[%multiple_of3A] : memref<102400xf32, #tpu.memory_space<hbm>> -> memref<6400xf32, #tpu.memory_space<hbm>>
      tpu.enqueue_dma source(%dma_start3A_51 : memref<6400xf32, #tpu.memory_space<hbm>>) target(%dma_start3A_50 : memref<6400xf32, #tpu.memory_space<vmem_shared>>) target_semaphore(%run_scoped3A : memref<!tpu.dma_semaphore, #tpu.memory_space<semaphore_mem>>)
      %dma_wait3A_52 = tpu.memref_slice %arg24[%multiple_of3A] : memref<102400xf32, #tpu.memory_space<vmem_shared>> -> memref<6400xf32, #tpu.memory_space<vmem_shared>>
      %dma_wait3A_53 = tpu.memref_slice %arg5[%multiple_of3A] : memref<102400xf32, #tpu.memory_space<hbm>> -> memref<6400xf32, #tpu.memory_space<hbm>>
      tpu.wait_dma2 semaphore(%run_scoped3A : memref<!tpu.dma_semaphore, #tpu.memory_space<semaphore_mem>>) src(%dma_wait3A_53 : memref<6400xf32, #tpu.memory_space<hbm>>) dst(%dma_wait3A_52 : memref<6400xf32, #tpu.memory_space<vmem_shared>>)
      tpu.yield
    }) : () -> ()
    "tpu.region"() ({
      %run_scoped3A = tpu.sem_alloc : memref<!tpu.dma_semaphore, #tpu.memory_space<semaphore_mem>>
      %dma_start3A_50 = tpu.memref_slice %arg25[%multiple_of3A] : memref<102400xf32, #tpu.memory_space<vmem_shared>> -> memref<6400xf32, #tpu.memory_space<vmem_shared>>
      %dma_start3A_51 = tpu.memref_slice %arg6[%multiple_of3A] : memref<102400xf32, #tpu.memory_space<hbm>> -> memref<6400xf32, #tpu.memory_space<hbm>>
      tpu.enqueue_dma source(%dma_start3A_51 : memref<6400xf32, #tpu.memory_space<hbm>>) target(%dma_start3A_50 : memref<6400xf32, #tpu.memory_space<vmem_shared>>) target_semaphore(%run_scoped3A : memref<!tpu.dma_semaphore, #tpu.memory_space<semaphore_mem>>)
      %dma_wait3A_52 = tpu.memref_slice %arg25[%multiple_of3A] : memref<102400xf32, #tpu.memory_space<vmem_shared>> -> memref<6400xf32, #tpu.memory_space<vmem_shared>>
      %dma_wait3A_53 = tpu.memref_slice %arg6[%multiple_of3A] : memref<102400xf32, #tpu.memory_space<hbm>> -> memref<6400xf32, #tpu.memory_space<hbm>>
      tpu.wait_dma2 semaphore(%run_scoped3A : memref<!tpu.dma_semaphore, #tpu.memory_space<semaphore_mem>>) src(%dma_wait3A_53 : memref<6400xf32, #tpu.memory_space<hbm>>) dst(%dma_wait3A_52 : memref<6400xf32, #tpu.memory_space<vmem_shared>>)
      tpu.yield
    }) : () -> ()
    "tpu.region"() ({
      %run_scoped3A = tpu.sem_alloc : memref<!tpu.dma_semaphore, #tpu.memory_space<semaphore_mem>>
      %dma_start3A_50 = tpu.memref_slice %arg26[%multiple_of3A] : memref<102400xf32, #tpu.memory_space<vmem_shared>> -> memref<6400xf32, #tpu.memory_space<vmem_shared>>
      %dma_start3A_51 = tpu.memref_slice %arg7[%multiple_of3A] : memref<102400xf32, #tpu.memory_space<hbm>> -> memref<6400xf32, #tpu.memory_space<hbm>>
      tpu.enqueue_dma source(%dma_start3A_51 : memref<6400xf32, #tpu.memory_space<hbm>>) target(%dma_start3A_50 : memref<6400xf32, #tpu.memory_space<vmem_shared>>) target_semaphore(%run_scoped3A : memref<!tpu.dma_semaphore, #tpu.memory_space<semaphore_mem>>)
      %dma_wait3A_52 = tpu.memref_slice %arg26[%multiple_of3A] : memref<102400xf32, #tpu.memory_space<vmem_shared>> -> memref<6400xf32, #tpu.memory_space<vmem_shared>>
      %dma_wait3A_53 = tpu.memref_slice %arg7[%multiple_of3A] : memref<102400xf32, #tpu.memory_space<hbm>> -> memref<6400xf32, #tpu.memory_space<hbm>>
      tpu.wait_dma2 semaphore(%run_scoped3A : memref<!tpu.dma_semaphore, #tpu.memory_space<semaphore_mem>>) src(%dma_wait3A_53 : memref<6400xf32, #tpu.memory_space<hbm>>) dst(%dma_wait3A_52 : memref<6400xf32, #tpu.memory_space<vmem_shared>>)
      tpu.yield
    }) : () -> ()
    %scan3A = arith.constant 0 : i32
    %scan3A_4 = arith.constant 40 : i32
    %scan3A_5 = arith.addi %scan3A, %scan3A_4 : i32
    %scan3A_6 = arith.constant 1 : i32
    scf.for %scan3A_50 = %scan3A to %scan3A_5 step %scan3A_6  : i32 {
      %mul3A_51 = arith.constant 16 : i32
      %mul3A_52 = arith.muli %scan3A_50, %mul3A_51 : i32
      %swap3A = arith.index_cast %mul3A_52 : i32 to index
      %swap3A_53 = tpu.vector_load %arg23[%swap3A] {strides = array<i32>} : memref<640xf32, #tpu.memory_space<vmem>>, vector<16xf32>,
      tpu.vector_store %arg23[%swap3A], %broadcast_in_dim3A_1 {strides = array<i32>} : memref<640xf32, #tpu.memory_space<vmem>>, vector<16xf32>,
    }
    %scan3A_7 = arith.constant 40 : i32
    %scan3A_8 = arith.constant 0 : i32
    %scan3A_9 = arith.constant 10 : i32
    %scan3A_10 = arith.addi %scan3A_8, %scan3A_9 : i32
    %scan3A_11 = arith.constant 1 : i32
    scf.for %scan3A_50 = %scan3A_8 to %scan3A_10 step %scan3A_11  : i32 {
      %mul3A_51 = arith.constant 640 : i32
      %mul3A_52 = arith.muli %scan3A_50, %mul3A_51 : i32
      %add3A_53 = arith.addi %multiple_of3A, %mul3A_52 : i32
      %multiple_of3A_54 = tpu.assume_multiple %add3A_53, 128 : i32
      "tpu.region"() ({
        %run_scoped3A = tpu.sem_alloc : memref<!tpu.dma_semaphore, #tpu.memory_space<semaphore_mem>>
        %dma_start3A_55 = tpu.memref_slice %arg27[%multiple_of3A_54] : memref<102400xf32, #tpu.memory_space<vmem_shared>> -> memref<640xf32, #tpu.memory_space<vmem_shared>>
        %dma_start3A_56 = tpu.memref_slice %arg27[%multiple_of3A_54] : memref<102400xf32, #tpu.memory_space<vmem_shared>> -> memref<640xf32, #tpu.memory_space<vmem_shared>>
        tpu.enqueue_dma source(%arg23 : memref<640xf32, #tpu.memory_space<vmem>>) target(%dma_start3A_56 : memref<640xf32, #tpu.memory_space<vmem_shared>>) target_semaphore(%run_scoped3A : memref<!tpu.dma_semaphore, #tpu.memory_space<semaphore_mem>>)
        %dma_wait3A_57 = tpu.memref_slice %arg27[%multiple_of3A_54] : memref<102400xf32, #tpu.memory_space<vmem_shared>> -> memref<640xf32, #tpu.memory_space<vmem_shared>>
        %dma_wait3A_58 = tpu.memref_slice %arg27[%multiple_of3A_54] : memref<102400xf32, #tpu.memory_space<vmem_shared>> -> memref<640xf32, #tpu.memory_space<vmem_shared>>
        tpu.wait_dma2 semaphore(%run_scoped3A : memref<!tpu.dma_semaphore, #tpu.memory_space<semaphore_mem>>) src(%arg23 : memref<640xf32, #tpu.memory_space<vmem>>) dst(%dma_wait3A_58 : memref<640xf32, #tpu.memory_space<vmem_shared>>)
        tpu.yield
      }) : () -> ()
    }
    %scan3A_12 = arith.constant 10 : i32
    %scan3A_13 = arith.constant 0 : i32
    %scan3A_14 = arith.constant 10 : i32
    %scan3A_15 = arith.addi %scan3A_13, %scan3A_14 : i32
    %scan3A_16 = arith.constant 1 : i32
    scf.for %scan3A_50 = %scan3A_13 to %scan3A_15 step %scan3A_16  : i32 {
      %mul3A_51 = arith.constant 640 : i32
      %mul3A_52 = arith.muli %scan3A_50, %mul3A_51 : i32
      %add3A_53 = arith.addi %multiple_of3A, %mul3A_52 : i32
      %multiple_of3A_54 = tpu.assume_multiple %add3A_53, 128 : i32
      "tpu.region"() ({
        %run_scoped3A = tpu.sem_alloc : memref<!tpu.dma_semaphore, #tpu.memory_space<semaphore_mem>>
        %dma_start3A_55 = tpu.memref_slice %arg28[%multiple_of3A_54] : memref<102400xf32, #tpu.memory_space<vmem_shared>> -> memref<640xf32, #tpu.memory_space<vmem_shared>>
        %dma_start3A_56 = tpu.memref_slice %arg28[%multiple_of3A_54] : memref<102400xf32, #tpu.memory_space<vmem_shared>> -> memref<640xf32, #tpu.memory_space<vmem_shared>>
        tpu.enqueue_dma source(%arg23 : memref<640xf32, #tpu.memory_space<vmem>>) target(%dma_start3A_56 : memref<640xf32, #tpu.memory_space<vmem_shared>>) target_semaphore(%run_scoped3A : memref<!tpu.dma_semaphore, #tpu.memory_space<semaphore_mem>>)
        %dma_wait3A_57 = tpu.memref_slice %arg28[%multiple_of3A_54] : memref<102400xf32, #tpu.memory_space<vmem_shared>> -> memref<640xf32, #tpu.memory_space<vmem_shared>>
        %dma_wait3A_58 = tpu.memref_slice %arg28[%multiple_of3A_54] : memref<102400xf32, #tpu.memory_space<vmem_shared>> -> memref<640xf32, #tpu.memory_space<vmem_shared>>
        tpu.wait_dma2 semaphore(%run_scoped3A : memref<!tpu.dma_semaphore, #tpu.memory_space<semaphore_mem>>) src(%arg23 : memref<640xf32, #tpu.memory_space<vmem>>) dst(%dma_wait3A_58 : memref<640xf32, #tpu.memory_space<vmem_shared>>)
        tpu.yield
      }) : () -> ()
    }
    %scan3A_17 = arith.constant 10 : i32
    %scan3A_18 = arith.constant 0 : i32
    %scan3A_19 = arith.constant 10 : i32
    %scan3A_20 = arith.addi %scan3A_18, %scan3A_19 : i32
    %scan3A_21 = arith.constant 1 : i32
    scf.for %scan3A_50 = %scan3A_18 to %scan3A_20 step %scan3A_21  : i32 {
      %mul3A_51 = arith.constant 640 : i32
      %mul3A_52 = arith.muli %scan3A_50, %mul3A_51 : i32
      %add3A_53 = arith.addi %multiple_of3A, %mul3A_52 : i32
      %multiple_of3A_54 = tpu.assume_multiple %add3A_53, 128 : i32
      "tpu.region"() ({
        %run_scoped3A = tpu.sem_alloc : memref<!tpu.dma_semaphore, #tpu.memory_space<semaphore_mem>>
        %dma_start3A_55 = tpu.memref_slice %arg29[%multiple_of3A_54] : memref<102400xf32, #tpu.memory_space<vmem_shared>> -> memref<640xf32, #tpu.memory_space<vmem_shared>>
        %dma_start3A_56 = tpu.memref_slice %arg29[%multiple_of3A_54] : memref<102400xf32, #tpu.memory_space<vmem_shared>> -> memref<640xf32, #tpu.memory_space<vmem_shared>>
        tpu.enqueue_dma source(%arg23 : memref<640xf32, #tpu.memory_space<vmem>>) target(%dma_start3A_56 : memref<640xf32, #tpu.memory_space<vmem_shared>>) target_semaphore(%run_scoped3A : memref<!tpu.dma_semaphore, #tpu.memory_space<semaphore_mem>>)
        %dma_wait3A_57 = tpu.memref_slice %arg29[%multiple_of3A_54] : memref<102400xf32, #tpu.memory_space<vmem_shared>> -> memref<640xf32, #tpu.memory_space<vmem_shared>>
        %dma_wait3A_58 = tpu.memref_slice %arg29[%multiple_of3A_54] : memref<102400xf32, #tpu.memory_space<vmem_shared>> -> memref<640xf32, #tpu.memory_space<vmem_shared>>
        tpu.wait_dma2 semaphore(%run_scoped3A : memref<!tpu.dma_semaphore, #tpu.memory_space<semaphore_mem>>) src(%arg23 : memref<640xf32, #tpu.memory_space<vmem>>) dst(%dma_wait3A_58 : memref<640xf32, #tpu.memory_space<vmem_shared>>)
        tpu.yield
      }) : () -> ()
    }
    %scan3A_22 = arith.constant 10 : i32
    %barrier3A = arith.constant 0 : index
    tpu.barrier barrier_id(%barrier3A)
    %scan3A_23 = arith.constant 1597463007 : i32
    %scan3A_24 = arith.constant 0 : i32
    %scan3A_25 = arith.constant 25 : i32
    %scan3A_26 = arith.addi %scan3A_24, %scan3A_25 : i32
    %scan3A_27 = arith.constant 1 : i32
    scf.for %scan3A_50 = %scan3A_24 to %scan3A_26 step %scan3A_27  : i32 {
      %mul3A_51 = arith.constant 51200 : i32
      %mul3A_52 = arith.muli %add3A, %mul3A_51 : i32
      %mul3A_53 = arith.constant 2048 : i32
      %mul3A_54 = arith.muli %scan3A_50, %mul3A_53 : i32
      %add3A_55 = arith.addi %mul3A_52, %mul3A_54 : i32
      %multiple_of3A_56 = tpu.assume_multiple %add3A_55, 128 : i32
      "tpu.region"() ({
        %run_scoped3A = tpu.sem_alloc : memref<!tpu.dma_semaphore, #tpu.memory_space<semaphore_mem>>
        %dma_start3A_98 = tpu.memref_slice %arg2[%multiple_of3A_56] : memref<1638400xi32, #tpu.memory_space<hbm>> -> memref<2048xi32, #tpu.memory_space<hbm>>
        %dma_start3A_99 = tpu.memref_slice %arg2[%multiple_of3A_56] : memref<1638400xi32, #tpu.memory_space<hbm>> -> memref<2048xi32, #tpu.memory_space<hbm>>
        tpu.enqueue_dma source(%dma_start3A_99 : memref<2048xi32, #tpu.memory_space<hbm>>) target(%arg10 : memref<2048xi32, #tpu.memory_space<vmem>>) target_semaphore(%run_scoped3A : memref<!tpu.dma_semaphore, #tpu.memory_space<semaphore_mem>>)
        %dma_wait3A_100 = tpu.memref_slice %arg2[%multiple_of3A_56] : memref<1638400xi32, #tpu.memory_space<hbm>> -> memref<2048xi32, #tpu.memory_space<hbm>>
        %dma_wait3A_101 = tpu.memref_slice %arg2[%multiple_of3A_56] : memref<1638400xi32, #tpu.memory_space<hbm>> -> memref<2048xi32, #tpu.memory_space<hbm>>
        tpu.wait_dma2 semaphore(%run_scoped3A : memref<!tpu.dma_semaphore, #tpu.memory_space<semaphore_mem>>) src(%dma_wait3A_101 : memref<2048xi32, #tpu.memory_space<hbm>>) dst(%arg10 : memref<2048xi32, #tpu.memory_space<vmem>>)
        tpu.yield
      }) : () -> ()
      "tpu.region"() ({
        %run_scoped3A = tpu.sem_alloc : memref<!tpu.dma_semaphore, #tpu.memory_space<semaphore_mem>>
        %dma_start3A_98 = tpu.memref_slice %arg3[%multiple_of3A_56] : memref<1638400xi32, #tpu.memory_space<hbm>> -> memref<2048xi32, #tpu.memory_space<hbm>>
        %dma_start3A_99 = tpu.memref_slice %arg3[%multiple_of3A_56] : memref<1638400xi32, #tpu.memory_space<hbm>> -> memref<2048xi32, #tpu.memory_space<hbm>>
        tpu.enqueue_dma source(%dma_start3A_99 : memref<2048xi32, #tpu.memory_space<hbm>>) target(%arg11 : memref<2048xi32, #tpu.memory_space<vmem>>) target_semaphore(%run_scoped3A : memref<!tpu.dma_semaphore, #tpu.memory_space<semaphore_mem>>)
        %dma_wait3A_100 = tpu.memref_slice %arg3[%multiple_of3A_56] : memref<1638400xi32, #tpu.memory_space<hbm>> -> memref<2048xi32, #tpu.memory_space<hbm>>
        %dma_wait3A_101 = tpu.memref_slice %arg3[%multiple_of3A_56] : memref<1638400xi32, #tpu.memory_space<hbm>> -> memref<2048xi32, #tpu.memory_space<hbm>>
        tpu.wait_dma2 semaphore(%run_scoped3A : memref<!tpu.dma_semaphore, #tpu.memory_space<semaphore_mem>>) src(%dma_wait3A_101 : memref<2048xi32, #tpu.memory_space<hbm>>) dst(%arg11 : memref<2048xi32, #tpu.memory_space<vmem>>)
        tpu.yield
      }) : () -> ()
      "tpu.region"() ({
        %run_scoped3A = tpu.sem_alloc : memref<!tpu.dma_semaphore, #tpu.memory_space<semaphore_mem>>
        %dma_start3A_98 = tpu.memref_slice %arg4[%multiple_of3A_56] : memref<1638400xf32, #tpu.memory_space<hbm>> -> memref<2048xf32, #tpu.memory_space<hbm>>
        %dma_start3A_99 = tpu.memref_slice %arg4[%multiple_of3A_56] : memref<1638400xf32, #tpu.memory_space<hbm>> -> memref<2048xf32, #tpu.memory_space<hbm>>
        tpu.enqueue_dma source(%dma_start3A_99 : memref<2048xf32, #tpu.memory_space<hbm>>) target(%arg12 : memref<2048xf32, #tpu.memory_space<vmem>>) target_semaphore(%run_scoped3A : memref<!tpu.dma_semaphore, #tpu.memory_space<semaphore_mem>>)
        %dma_wait3A_100 = tpu.memref_slice %arg4[%multiple_of3A_56] : memref<1638400xf32, #tpu.memory_space<hbm>> -> memref<2048xf32, #tpu.memory_space<hbm>>
        %dma_wait3A_101 = tpu.memref_slice %arg4[%multiple_of3A_56] : memref<1638400xf32, #tpu.memory_space<hbm>> -> memref<2048xf32, #tpu.memory_space<hbm>>
        tpu.wait_dma2 semaphore(%run_scoped3A : memref<!tpu.dma_semaphore, #tpu.memory_space<semaphore_mem>>) src(%dma_wait3A_101 : memref<2048xf32, #tpu.memory_space<hbm>>) dst(%arg12 : memref<2048xf32, #tpu.memory_space<vmem>>)
        tpu.yield
      }) : () -> ()
      %dma_start3A_57 = arith.constant 0 : i32
      %dma_start3A_58 = tpu.memref_slice %arg24[%dma_start3A_57] : memref<102400xf32, #tpu.memory_space<vmem_shared>> -> memref<102400xf32, #tpu.memory_space<vmem_shared>>
      tpu.enqueue_indirect_dma source(%dma_start3A_58 : memref<102400xf32, #tpu.memory_space<vmem_shared>>) target(%arg13 : memref<2048xf32, #tpu.memory_space<vmem>>) offsets(%arg10 : memref<2048xi32, #tpu.memory_space<vmem>>) semaphore(%arg30 : memref<!tpu.dma_semaphore, #tpu.memory_space<semaphore_mem>>)
      %dma_start3A_59 = arith.constant 0 : i32
      %dma_start3A_60 = tpu.memref_slice %arg25[%dma_start3A_59] : memref<102400xf32, #tpu.memory_space<vmem_shared>> -> memref<102400xf32, #tpu.memory_space<vmem_shared>>
      tpu.enqueue_indirect_dma source(%dma_start3A_60 : memref<102400xf32, #tpu.memory_space<vmem_shared>>) target(%arg14 : memref<2048xf32, #tpu.memory_space<vmem>>) offsets(%arg10 : memref<2048xi32, #tpu.memory_space<vmem>>) semaphore(%arg30 : memref<!tpu.dma_semaphore, #tpu.memory_space<semaphore_mem>>)
      %dma_start3A_61 = arith.constant 0 : i32
      %dma_start3A_62 = tpu.memref_slice %arg26[%dma_start3A_61] : memref<102400xf32, #tpu.memory_space<vmem_shared>> -> memref<102400xf32, #tpu.memory_space<vmem_shared>>
      tpu.enqueue_indirect_dma source(%dma_start3A_62 : memref<102400xf32, #tpu.memory_space<vmem_shared>>) target(%arg15 : memref<2048xf32, #tpu.memory_space<vmem>>) offsets(%arg10 : memref<2048xi32, #tpu.memory_space<vmem>>) semaphore(%arg30 : memref<!tpu.dma_semaphore, #tpu.memory_space<semaphore_mem>>)
      %dma_start3A_63 = arith.constant 0 : i32
      %dma_start3A_64 = tpu.memref_slice %arg24[%dma_start3A_63] : memref<102400xf32, #tpu.memory_space<vmem_shared>> -> memref<102400xf32, #tpu.memory_space<vmem_shared>>
      tpu.enqueue_indirect_dma source(%dma_start3A_64 : memref<102400xf32, #tpu.memory_space<vmem_shared>>) target(%arg16 : memref<2048xf32, #tpu.memory_space<vmem>>) offsets(%arg11 : memref<2048xi32, #tpu.memory_space<vmem>>) semaphore(%arg30 : memref<!tpu.dma_semaphore, #tpu.memory_space<semaphore_mem>>)
      %dma_start3A_65 = arith.constant 0 : i32
      %dma_start3A_66 = tpu.memref_slice %arg25[%dma_start3A_65] : memref<102400xf32, #tpu.memory_space<vmem_shared>> -> memref<102400xf32, #tpu.memory_space<vmem_shared>>
      tpu.enqueue_indirect_dma source(%dma_start3A_66 : memref<102400xf32, #tpu.memory_space<vmem_shared>>) target(%arg17 : memref<2048xf32, #tpu.memory_space<vmem>>) offsets(%arg11 : memref<2048xi32, #tpu.memory_space<vmem>>) semaphore(%arg30 : memref<!tpu.dma_semaphore, #tpu.memory_space<semaphore_mem>>)
      %dma_start3A_67 = arith.constant 0 : i32
      %dma_start3A_68 = tpu.memref_slice %arg26[%dma_start3A_67] : memref<102400xf32, #tpu.memory_space<vmem_shared>> -> memref<102400xf32, #tpu.memory_space<vmem_shared>>
      tpu.enqueue_indirect_dma source(%dma_start3A_68 : memref<102400xf32, #tpu.memory_space<vmem_shared>>) target(%arg18 : memref<2048xf32, #tpu.memory_space<vmem>>) offsets(%arg11 : memref<2048xi32, #tpu.memory_space<vmem>>) semaphore(%arg30 : memref<!tpu.dma_semaphore, #tpu.memory_space<semaphore_mem>>)
      %dma_wait3A_69 = arith.constant 0 : i32
      %dma_wait3A_70 = tpu.memref_slice %arg24[%dma_wait3A_69] : memref<102400xf32, #tpu.memory_space<vmem_shared>> -> memref<102400xf32, #tpu.memory_space<vmem_shared>>
      tpu.wait_indirect_dma semaphore(%arg30 : memref<!tpu.dma_semaphore, #tpu.memory_space<semaphore_mem>>) src(%dma_wait3A_70 : memref<102400xf32, #tpu.memory_space<vmem_shared>>) dst(%arg13 : memref<2048xf32, #tpu.memory_space<vmem>>)
      %dma_wait3A_71 = arith.constant 0 : i32
      %dma_wait3A_72 = tpu.memref_slice %arg25[%dma_wait3A_71] : memref<102400xf32, #tpu.memory_space<vmem_shared>> -> memref<102400xf32, #tpu.memory_space<vmem_shared>>
      tpu.wait_indirect_dma semaphore(%arg30 : memref<!tpu.dma_semaphore, #tpu.memory_space<semaphore_mem>>) src(%dma_wait3A_72 : memref<102400xf32, #tpu.memory_space<vmem_shared>>) dst(%arg14 : memref<2048xf32, #tpu.memory_space<vmem>>)
      %dma_wait3A_73 = arith.constant 0 : i32
      %dma_wait3A_74 = tpu.memref_slice %arg26[%dma_wait3A_73] : memref<102400xf32, #tpu.memory_space<vmem_shared>> -> memref<102400xf32, #tpu.memory_space<vmem_shared>>
      tpu.wait_indirect_dma semaphore(%arg30 : memref<!tpu.dma_semaphore, #tpu.memory_space<semaphore_mem>>) src(%dma_wait3A_74 : memref<102400xf32, #tpu.memory_space<vmem_shared>>) dst(%arg15 : memref<2048xf32, #tpu.memory_space<vmem>>)
      %dma_wait3A_75 = arith.constant 0 : i32
      %dma_wait3A_76 = tpu.memref_slice %arg24[%dma_wait3A_75] : memref<102400xf32, #tpu.memory_space<vmem_shared>> -> memref<102400xf32, #tpu.memory_space<vmem_shared>>
      tpu.wait_indirect_dma semaphore(%arg30 : memref<!tpu.dma_semaphore, #tpu.memory_space<semaphore_mem>>) src(%dma_wait3A_76 : memref<102400xf32, #tpu.memory_space<vmem_shared>>) dst(%arg16 : memref<2048xf32, #tpu.memory_space<vmem>>)
      %dma_wait3A_77 = arith.constant 0 : i32
      %dma_wait3A_78 = tpu.memref_slice %arg25[%dma_wait3A_77] : memref<102400xf32, #tpu.memory_space<vmem_shared>> -> memref<102400xf32, #tpu.memory_space<vmem_shared>>
      tpu.wait_indirect_dma semaphore(%arg30 : memref<!tpu.dma_semaphore, #tpu.memory_space<semaphore_mem>>) src(%dma_wait3A_78 : memref<102400xf32, #tpu.memory_space<vmem_shared>>) dst(%arg17 : memref<2048xf32, #tpu.memory_space<vmem>>)
      %dma_wait3A_79 = arith.constant 0 : i32
      %dma_wait3A_80 = tpu.memref_slice %arg26[%dma_wait3A_79] : memref<102400xf32, #tpu.memory_space<vmem_shared>> -> memref<102400xf32, #tpu.memory_space<vmem_shared>>
      tpu.wait_indirect_dma semaphore(%arg30 : memref<!tpu.dma_semaphore, #tpu.memory_space<semaphore_mem>>) src(%dma_wait3A_80 : memref<102400xf32, #tpu.memory_space<vmem_shared>>) dst(%arg18 : memref<2048xf32, #tpu.memory_space<vmem>>)
      %scan3A_81 = arith.constant 0 : i32
      %scan3A_82 = arith.constant 128 : i32
      %scan3A_83 = arith.addi %scan3A_81, %scan3A_82 : i32
      %scan3A_84 = arith.constant 1 : i32
      scf.for %scan3A_98 = %scan3A_81 to %scan3A_83 step %scan3A_84  : i32 {
        %mul3A_99 = arith.constant 16 : i32
        %mul3A_100 = arith.muli %scan3A_98, %mul3A_99 : i32
        %get3A = arith.index_cast %mul3A_100 : i32 to index
        %get3A_101 = tpu.vector_load %arg13[%get3A] {strides = array<i32>} : memref<2048xf32, #tpu.memory_space<vmem>>, vector<16xf32>,
        %get3A_102 = arith.index_cast %mul3A_100 : i32 to index
        %get3A_103 = tpu.vector_load %arg14[%get3A_102] {strides = array<i32>} : memref<2048xf32, #tpu.memory_space<vmem>>, vector<16xf32>,
        %get3A_104 = arith.index_cast %mul3A_100 : i32 to index
        %get3A_105 = tpu.vector_load %arg15[%get3A_104] {strides = array<i32>} : memref<2048xf32, #tpu.memory_space<vmem>>, vector<16xf32>,
        %get3A_106 = arith.index_cast %mul3A_100 : i32 to index
        %get3A_107 = tpu.vector_load %arg16[%get3A_106] {strides = array<i32>} : memref<2048xf32, #tpu.memory_space<vmem>>, vector<16xf32>,
        %get3A_108 = arith.index_cast %mul3A_100 : i32 to index
        %get3A_109 = tpu.vector_load %arg17[%get3A_108] {strides = array<i32>} : memref<2048xf32, #tpu.memory_space<vmem>>, vector<16xf32>,
        %get3A_110 = arith.index_cast %mul3A_100 : i32 to index
        %get3A_111 = tpu.vector_load %arg18[%get3A_110] {strides = array<i32>} : memref<2048xf32, #tpu.memory_space<vmem>>, vector<16xf32>,
        %get3A_112 = arith.index_cast %mul3A_100 : i32 to index
        %get3A_113 = tpu.vector_load %arg12[%get3A_112] {strides = array<i32>} : memref<2048xf32, #tpu.memory_space<vmem>>, vector<16xf32>,
        %sub3A = arith.subf %get3A_101, %get3A_107 : vector<16xf32>
        %sub3A_114 = arith.subf %get3A_103, %get3A_109 : vector<16xf32>
        %sub3A_115 = arith.subf %get3A_105, %get3A_111 : vector<16xf32>
        %mul3A_116 = arith.mulf %sub3A, %sub3A : vector<16xf32>
        %mul3A_117 = arith.mulf %sub3A_114, %sub3A_114 : vector<16xf32>
        %add3A_118 = arith.addf %mul3A_116, %mul3A_117 : vector<16xf32>
        %mul3A_119 = arith.mulf %sub3A_115, %sub3A_115 : vector<16xf32>
        %add3A_120 = arith.addf %add3A_118, %mul3A_119 : vector<16xf32>
        %bitcast3A = vector.bitcast %add3A_120 : vector<16xf32> to vector<16xi32>
        %shift_right_arithmetic3A = arith.constant 1 : i32
        %shift_right_arithmetic3A_121 = vector.broadcast %shift_right_arithmetic3A : i32 to vector<16xi32>
        %shift_right_arithmetic3A_122 = arith.shrsi %bitcast3A, %shift_right_arithmetic3A_121 : vector<16xi32>
        %sub3A_123 = vector.broadcast %scan3A_23 : i32 to vector<16xi32>
        %sub3A_124 = arith.subi %sub3A_123, %shift_right_arithmetic3A_122 : vector<16xi32>
        %bitcast3A_125 = vector.bitcast %sub3A_124 : vector<16xi32> to vector<16xf32>
        %mul3A_126 = arith.constant 5.000000e-01 : f32
        %mul3A_127 = vector.broadcast %mul3A_126 : f32 to vector<16xf32>
        %mul3A_128 = arith.mulf %mul3A_127, %add3A_120 : vector<16xf32>
        %mul3A_129 = arith.mulf %mul3A_128, %bitcast3A_125 : vector<16xf32>
        %mul3A_130 = arith.mulf %mul3A_129, %bitcast3A_125 : vector<16xf32>
        %sub3A_131 = arith.constant 1.500000e+00 : f32
        %sub3A_132 = vector.broadcast %sub3A_131 : f32 to vector<16xf32>
        %sub3A_133 = arith.subf %sub3A_132, %mul3A_130 : vector<16xf32>
        %mul3A_134 = arith.mulf %bitcast3A_125, %sub3A_133 : vector<16xf32>
        %mul3A_135 = arith.mulf %mul3A_128, %mul3A_134 : vector<16xf32>
        %mul3A_136 = arith.mulf %mul3A_135, %mul3A_134 : vector<16xf32>
        %sub3A_137 = arith.constant 1.500000e+00 : f32
        %sub3A_138 = vector.broadcast %sub3A_137 : f32 to vector<16xf32>
        %sub3A_139 = arith.subf %sub3A_138, %mul3A_136 : vector<16xf32>
        %mul3A_140 = arith.mulf %mul3A_134, %sub3A_139 : vector<16xf32>
        %mul3A_141 = arith.mulf %mul3A_128, %mul3A_140 : vector<16xf32>
        %mul3A_142 = arith.mulf %mul3A_141, %mul3A_140 : vector<16xf32>
        %sub3A_143 = arith.constant 1.500000e+00 : f32
        %sub3A_144 = vector.broadcast %sub3A_143 : f32 to vector<16xf32>
        %sub3A_145 = arith.subf %sub3A_144, %mul3A_142 : vector<16xf32>
        %mul3A_146 = arith.mulf %mul3A_140, %sub3A_145 : vector<16xf32>
        %mul3A_147 = arith.mulf %add3A_120, %mul3A_146 : vector<16xf32>
        %add3A_148 = arith.constant 9.99999997E-7 : f32
        %add3A_149 = vector.broadcast %add3A_148 : f32 to vector<16xf32>
        %add3A_150 = arith.addf %mul3A_147, %add3A_149 : vector<16xf32>
        %div3A = arith.divf %get3A_113, %add3A_150 : vector<16xf32>
        %mul3A_151 = arith.mulf %sub3A, %div3A : vector<16xf32>
        %swap3A = arith.index_cast %mul3A_100 : i32 to index
        %swap3A_152 = tpu.vector_load %arg19[%swap3A] {strides = array<i32>} : memref<2048xf32, #tpu.memory_space<vmem>>, vector<16xf32>,
        tpu.vector_store %arg19[%swap3A], %mul3A_151 {strides = array<i32>} : memref<2048xf32, #tpu.memory_space<vmem>>, vector<16xf32>,
        %mul3A_153 = arith.mulf %sub3A_114, %div3A : vector<16xf32>
        %swap3A_154 = arith.index_cast %mul3A_100 : i32 to index
        %swap3A_155 = tpu.vector_load %arg20[%swap3A_154] {strides = array<i32>} : memref<2048xf32, #tpu.memory_space<vmem>>, vector<16xf32>,
        tpu.vector_store %arg20[%swap3A_154], %mul3A_153 {strides = array<i32>} : memref<2048xf32, #tpu.memory_space<vmem>>, vector<16xf32>,
        %mul3A_156 = arith.mulf %sub3A_115, %div3A : vector<16xf32>
        %swap3A_157 = arith.index_cast %mul3A_100 : i32 to index
        %swap3A_158 = tpu.vector_load %arg21[%swap3A_157] {strides = array<i32>} : memref<2048xf32, #tpu.memory_space<vmem>>, vector<16xf32>,
        tpu.vector_store %arg21[%swap3A_157], %mul3A_156 {strides = array<i32>} : memref<2048xf32, #tpu.memory_space<vmem>>, vector<16xf32>,
      }
      %scan3A_85 = arith.constant 128 : i32
      %dma_start3A_86 = arith.constant 0 : i32
      %dma_start3A_87 = tpu.memref_slice %arg27[%dma_start3A_86] : memref<102400xf32, #tpu.memory_space<vmem_shared>> -> memref<102400xf32, #tpu.memory_space<vmem_shared>>
      tpu.enqueue_indirect_dma source(%arg19 : memref<2048xf32, #tpu.memory_space<vmem>>) target(%dma_start3A_87 : memref<102400xf32, #tpu.memory_space<vmem_shared>>) offsets(%arg10 : memref<2048xi32, #tpu.memory_space<vmem>>) semaphore(%arg30 : memref<!tpu.dma_semaphore, #tpu.memory_space<semaphore_mem>>) {add = true}
      %dma_start3A_88 = arith.constant 0 : i32
      %dma_start3A_89 = tpu.memref_slice %arg28[%dma_start3A_88] : memref<102400xf32, #tpu.memory_space<vmem_shared>> -> memref<102400xf32, #tpu.memory_space<vmem_shared>>
      tpu.enqueue_indirect_dma source(%arg20 : memref<2048xf32, #tpu.memory_space<vmem>>) target(%dma_start3A_89 : memref<102400xf32, #tpu.memory_space<vmem_shared>>) offsets(%arg10 : memref<2048xi32, #tpu.memory_space<vmem>>) semaphore(%arg30 : memref<!tpu.dma_semaphore, #tpu.memory_space<semaphore_mem>>) {add = true}
      %dma_start3A_90 = arith.constant 0 : i32
      %dma_start3A_91 = tpu.memref_slice %arg29[%dma_start3A_90] : memref<102400xf32, #tpu.memory_space<vmem_shared>> -> memref<102400xf32, #tpu.memory_space<vmem_shared>>
      tpu.enqueue_indirect_dma source(%arg21 : memref<2048xf32, #tpu.memory_space<vmem>>) target(%dma_start3A_91 : memref<102400xf32, #tpu.memory_space<vmem_shared>>) offsets(%arg10 : memref<2048xi32, #tpu.memory_space<vmem>>) semaphore(%arg30 : memref<!tpu.dma_semaphore, #tpu.memory_space<semaphore_mem>>) {add = true}
      %dma_wait3A_92 = arith.constant 0 : i32
      %dma_wait3A_93 = tpu.memref_slice %arg27[%dma_wait3A_92] : memref<102400xf32, #tpu.memory_space<vmem_shared>> -> memref<102400xf32, #tpu.memory_space<vmem_shared>>
      tpu.wait_indirect_dma semaphore(%arg30 : memref<!tpu.dma_semaphore, #tpu.memory_space<semaphore_mem>>) src(%arg19 : memref<2048xf32, #tpu.memory_space<vmem>>) dst(%dma_wait3A_93 : memref<102400xf32, #tpu.memory_space<vmem_shared>>)
      %dma_wait3A_94 = arith.constant 0 : i32
      %dma_wait3A_95 = tpu.memref_slice %arg28[%dma_wait3A_94] : memref<102400xf32, #tpu.memory_space<vmem_shared>> -> memref<102400xf32, #tpu.memory_space<vmem_shared>>
      tpu.wait_indirect_dma semaphore(%arg30 : memref<!tpu.dma_semaphore, #tpu.memory_space<semaphore_mem>>) src(%arg20 : memref<2048xf32, #tpu.memory_space<vmem>>) dst(%dma_wait3A_95 : memref<102400xf32, #tpu.memory_space<vmem_shared>>)
      %dma_wait3A_96 = arith.constant 0 : i32
      %dma_wait3A_97 = tpu.memref_slice %arg29[%dma_wait3A_96] : memref<102400xf32, #tpu.memory_space<vmem_shared>> -> memref<102400xf32, #tpu.memory_space<vmem_shared>>
      tpu.wait_indirect_dma semaphore(%arg30 : memref<!tpu.dma_semaphore, #tpu.memory_space<semaphore_mem>>) src(%arg21 : memref<2048xf32, #tpu.memory_space<vmem>>) dst(%dma_wait3A_97 : memref<102400xf32, #tpu.memory_space<vmem_shared>>)
    }
    %scan3A_28 = arith.constant 25 : i32
    %barrier3A_29 = arith.constant 0 : index
    tpu.barrier barrier_id(%barrier3A_29)
    %mul3A_30 = arith.constant 2048 : i32
    %mul3A_31 = arith.muli %arg1, %mul3A_30 : i32
    %multiple_of3A_32 = tpu.assume_multiple %mul3A_31, 128 : i32
    "tpu.region"() ({
      %run_scoped3A = tpu.sem_alloc : memref<!tpu.dma_semaphore, #tpu.memory_space<semaphore_mem>>
      %dma_start3A_50 = tpu.memref_slice %arg8[%multiple_of3A_32] : memref<32768xi32, #tpu.memory_space<hbm>> -> memref<2048xi32, #tpu.memory_space<hbm>>
      %dma_start3A_51 = tpu.memref_slice %arg8[%multiple_of3A_32] : memref<32768xi32, #tpu.memory_space<hbm>> -> memref<2048xi32, #tpu.memory_space<hbm>>
      tpu.enqueue_dma source(%dma_start3A_51 : memref<2048xi32, #tpu.memory_space<hbm>>) target(%arg22 : memref<2048xi32, #tpu.memory_space<vmem>>) target_semaphore(%run_scoped3A : memref<!tpu.dma_semaphore, #tpu.memory_space<semaphore_mem>>)
      %dma_wait3A_52 = tpu.memref_slice %arg8[%multiple_of3A_32] : memref<32768xi32, #tpu.memory_space<hbm>> -> memref<2048xi32, #tpu.memory_space<hbm>>
      %dma_wait3A_53 = tpu.memref_slice %arg8[%multiple_of3A_32] : memref<32768xi32, #tpu.memory_space<hbm>> -> memref<2048xi32, #tpu.memory_space<hbm>>
      tpu.wait_dma2 semaphore(%run_scoped3A : memref<!tpu.dma_semaphore, #tpu.memory_space<semaphore_mem>>) src(%dma_wait3A_53 : memref<2048xi32, #tpu.memory_space<hbm>>) dst(%arg22 : memref<2048xi32, #tpu.memory_space<vmem>>)
      tpu.yield
    }) : () -> ()
    %dma_start3A = arith.constant 0 : i32
    %dma_start3A_33 = tpu.memref_slice %arg27[%dma_start3A] : memref<102400xf32, #tpu.memory_space<vmem_shared>> -> memref<102400xf32, #tpu.memory_space<vmem_shared>>
    tpu.enqueue_indirect_dma source(%dma_start3A_33 : memref<102400xf32, #tpu.memory_space<vmem_shared>>) target(%arg13 : memref<2048xf32, #tpu.memory_space<vmem>>) offsets(%arg22 : memref<2048xi32, #tpu.memory_space<vmem>>) semaphore(%arg30 : memref<!tpu.dma_semaphore, #tpu.memory_space<semaphore_mem>>)
    %dma_start3A_34 = arith.constant 0 : i32
    %dma_start3A_35 = tpu.memref_slice %arg28[%dma_start3A_34] : memref<102400xf32, #tpu.memory_space<vmem_shared>> -> memref<102400xf32, #tpu.memory_space<vmem_shared>>
    tpu.enqueue_indirect_dma source(%dma_start3A_35 : memref<102400xf32, #tpu.memory_space<vmem_shared>>) target(%arg14 : memref<2048xf32, #tpu.memory_space<vmem>>) offsets(%arg22 : memref<2048xi32, #tpu.memory_space<vmem>>) semaphore(%arg30 : memref<!tpu.dma_semaphore, #tpu.memory_space<semaphore_mem>>)
    %dma_start3A_36 = arith.constant 0 : i32
    %dma_start3A_37 = tpu.memref_slice %arg29[%dma_start3A_36] : memref<102400xf32, #tpu.memory_space<vmem_shared>> -> memref<102400xf32, #tpu.memory_space<vmem_shared>>
    tpu.enqueue_indirect_dma source(%dma_start3A_37 : memref<102400xf32, #tpu.memory_space<vmem_shared>>) target(%arg15 : memref<2048xf32, #tpu.memory_space<vmem>>) offsets(%arg22 : memref<2048xi32, #tpu.memory_space<vmem>>) semaphore(%arg30 : memref<!tpu.dma_semaphore, #tpu.memory_space<semaphore_mem>>)
    %dma_wait3A = arith.constant 0 : i32
    %dma_wait3A_38 = tpu.memref_slice %arg27[%dma_wait3A] : memref<102400xf32, #tpu.memory_space<vmem_shared>> -> memref<102400xf32, #tpu.memory_space<vmem_shared>>
    tpu.wait_indirect_dma semaphore(%arg30 : memref<!tpu.dma_semaphore, #tpu.memory_space<semaphore_mem>>) src(%dma_wait3A_38 : memref<102400xf32, #tpu.memory_space<vmem_shared>>) dst(%arg13 : memref<2048xf32, #tpu.memory_space<vmem>>)
    %dma_wait3A_39 = arith.constant 0 : i32
    %dma_wait3A_40 = tpu.memref_slice %arg28[%dma_wait3A_39] : memref<102400xf32, #tpu.memory_space<vmem_shared>> -> memref<102400xf32, #tpu.memory_space<vmem_shared>>
    tpu.wait_indirect_dma semaphore(%arg30 : memref<!tpu.dma_semaphore, #tpu.memory_space<semaphore_mem>>) src(%dma_wait3A_40 : memref<102400xf32, #tpu.memory_space<vmem_shared>>) dst(%arg14 : memref<2048xf32, #tpu.memory_space<vmem>>)
    %dma_wait3A_41 = arith.constant 0 : i32
    %dma_wait3A_42 = tpu.memref_slice %arg29[%dma_wait3A_41] : memref<102400xf32, #tpu.memory_space<vmem_shared>> -> memref<102400xf32, #tpu.memory_space<vmem_shared>>
    tpu.wait_indirect_dma semaphore(%arg30 : memref<!tpu.dma_semaphore, #tpu.memory_space<semaphore_mem>>) src(%dma_wait3A_42 : memref<102400xf32, #tpu.memory_space<vmem_shared>>) dst(%arg15 : memref<2048xf32, #tpu.memory_space<vmem>>)
    %eq3A = arith.constant 0 : i32
    %eq3A_43 = arith.cmpi eq, %arg0, %eq3A : i32
    %convert_element_type3A = arith.extui %eq3A_43 : i1 to i32
    %cond3A = arith.constant 0 : i32
    %cond3A_44 = arith.cmpi ne, %convert_element_type3A, %cond3A : i32
    scf.if %cond3A_44 {
      %add3A_50 = arith.constant 0 : i32
      %add3A_51 = arith.addi %add3A_50, %multiple_of3A_32 : i32
      %multiple_of3A_52 = tpu.assume_multiple %add3A_51, 128 : i32
      "tpu.region"() ({
        %run_scoped3A = tpu.sem_alloc : memref<!tpu.dma_semaphore, #tpu.memory_space<semaphore_mem>>
        %dma_start3A_80 = tpu.memref_slice %arg9[%multiple_of3A_52] : memref<294912xf32, #tpu.memory_space<hbm>> -> memref<2048xf32, #tpu.memory_space<hbm>>
        %dma_start3A_81 = tpu.memref_slice %arg9[%multiple_of3A_52] : memref<294912xf32, #tpu.memory_space<hbm>> -> memref<2048xf32, #tpu.memory_space<hbm>>
        tpu.enqueue_dma source(%arg13 : memref<2048xf32, #tpu.memory_space<vmem>>) target(%dma_start3A_81 : memref<2048xf32, #tpu.memory_space<hbm>>) target_semaphore(%run_scoped3A : memref<!tpu.dma_semaphore, #tpu.memory_space<semaphore_mem>>)
        %dma_wait3A_82 = tpu.memref_slice %arg9[%multiple_of3A_52] : memref<294912xf32, #tpu.memory_space<hbm>> -> memref<2048xf32, #tpu.memory_space<hbm>>
        %dma_wait3A_83 = tpu.memref_slice %arg9[%multiple_of3A_52] : memref<294912xf32, #tpu.memory_space<hbm>> -> memref<2048xf32, #tpu.memory_space<hbm>>
        tpu.wait_dma2 semaphore(%run_scoped3A : memref<!tpu.dma_semaphore, #tpu.memory_space<semaphore_mem>>) src(%arg13 : memref<2048xf32, #tpu.memory_space<vmem>>) dst(%dma_wait3A_83 : memref<2048xf32, #tpu.memory_space<hbm>>)
        tpu.yield
      }) : () -> ()
      %add3A_53 = arith.constant 32768 : i32
      %add3A_54 = arith.addi %add3A_53, %multiple_of3A_32 : i32
      %multiple_of3A_55 = tpu.assume_multiple %add3A_54, 128 : i32
      "tpu.region"() ({
        %run_scoped3A = tpu.sem_alloc : memref<!tpu.dma_semaphore, #tpu.memory_space<semaphore_mem>>
        %dma_start3A_80 = tpu.memref_slice %arg9[%multiple_of3A_55] : memref<294912xf32, #tpu.memory_space<hbm>> -> memref<2048xf32, #tpu.memory_space<hbm>>
        %dma_start3A_81 = tpu.memref_slice %arg9[%multiple_of3A_55] : memref<294912xf32, #tpu.memory_space<hbm>> -> memref<2048xf32, #tpu.memory_space<hbm>>
        tpu.enqueue_dma source(%arg14 : memref<2048xf32, #tpu.memory_space<vmem>>) target(%dma_start3A_81 : memref<2048xf32, #tpu.memory_space<hbm>>) target_semaphore(%run_scoped3A : memref<!tpu.dma_semaphore, #tpu.memory_space<semaphore_mem>>)
        %dma_wait3A_82 = tpu.memref_slice %arg9[%multiple_of3A_55] : memref<294912xf32, #tpu.memory_space<hbm>> -> memref<2048xf32, #tpu.memory_space<hbm>>
        %dma_wait3A_83 = tpu.memref_slice %arg9[%multiple_of3A_55] : memref<294912xf32, #tpu.memory_space<hbm>> -> memref<2048xf32, #tpu.memory_space<hbm>>
        tpu.wait_dma2 semaphore(%run_scoped3A : memref<!tpu.dma_semaphore, #tpu.memory_space<semaphore_mem>>) src(%arg14 : memref<2048xf32, #tpu.memory_space<vmem>>) dst(%dma_wait3A_83 : memref<2048xf32, #tpu.memory_space<hbm>>)
        tpu.yield
      }) : () -> ()
      %add3A_56 = arith.constant 65536 : i32
      %add3A_57 = arith.addi %add3A_56, %multiple_of3A_32 : i32
      %multiple_of3A_58 = tpu.assume_multiple %add3A_57, 128 : i32
      "tpu.region"() ({
        %run_scoped3A = tpu.sem_alloc : memref<!tpu.dma_semaphore, #tpu.memory_space<semaphore_mem>>
        %dma_start3A_80 = tpu.memref_slice %arg9[%multiple_of3A_58] : memref<294912xf32, #tpu.memory_space<hbm>> -> memref<2048xf32, #tpu.memory_space<hbm>>
        %dma_start3A_81 = tpu.memref_slice %arg9[%multiple_of3A_58] : memref<294912xf32, #tpu.memory_space<hbm>> -> memref<2048xf32, #tpu.memory_space<hbm>>
        tpu.enqueue_dma source(%arg15 : memref<2048xf32, #tpu.memory_space<vmem>>) target(%dma_start3A_81 : memref<2048xf32, #tpu.memory_space<hbm>>) target_semaphore(%run_scoped3A : memref<!tpu.dma_semaphore, #tpu.memory_space<semaphore_mem>>)
        %dma_wait3A_82 = tpu.memref_slice %arg9[%multiple_of3A_58] : memref<294912xf32, #tpu.memory_space<hbm>> -> memref<2048xf32, #tpu.memory_space<hbm>>
        %dma_wait3A_83 = tpu.memref_slice %arg9[%multiple_of3A_58] : memref<294912xf32, #tpu.memory_space<hbm>> -> memref<2048xf32, #tpu.memory_space<hbm>>
        tpu.wait_dma2 semaphore(%run_scoped3A : memref<!tpu.dma_semaphore, #tpu.memory_space<semaphore_mem>>) src(%arg15 : memref<2048xf32, #tpu.memory_space<vmem>>) dst(%dma_wait3A_83 : memref<2048xf32, #tpu.memory_space<hbm>>)
        tpu.yield
      }) : () -> ()
      %dma_start3A_59 = arith.constant 0 : i32
      %dma_start3A_60 = tpu.memref_slice %arg24[%dma_start3A_59] : memref<102400xf32, #tpu.memory_space<vmem_shared>> -> memref<102400xf32, #tpu.memory_space<vmem_shared>>
      tpu.enqueue_indirect_dma source(%dma_start3A_60 : memref<102400xf32, #tpu.memory_space<vmem_shared>>) target(%arg16 : memref<2048xf32, #tpu.memory_space<vmem>>) offsets(%arg22 : memref<2048xi32, #tpu.memory_space<vmem>>) semaphore(%arg30 : memref<!tpu.dma_semaphore, #tpu.memory_space<semaphore_mem>>)
      %dma_start3A_61 = arith.constant 0 : i32
      %dma_start3A_62 = tpu.memref_slice %arg25[%dma_start3A_61] : memref<102400xf32, #tpu.memory_space<vmem_shared>> -> memref<102400xf32, #tpu.memory_space<vmem_shared>>
      tpu.enqueue_indirect_dma source(%dma_start3A_62 : memref<102400xf32, #tpu.memory_space<vmem_shared>>) target(%arg17 : memref<2048xf32, #tpu.memory_space<vmem>>) offsets(%arg22 : memref<2048xi32, #tpu.memory_space<vmem>>) semaphore(%arg30 : memref<!tpu.dma_semaphore, #tpu.memory_space<semaphore_mem>>)
      %dma_start3A_63 = arith.constant 0 : i32
      %dma_start3A_64 = tpu.memref_slice %arg26[%dma_start3A_63] : memref<102400xf32, #tpu.memory_space<vmem_shared>> -> memref<102400xf32, #tpu.memory_space<vmem_shared>>
      tpu.enqueue_indirect_dma source(%dma_start3A_64 : memref<102400xf32, #tpu.memory_space<vmem_shared>>) target(%arg18 : memref<2048xf32, #tpu.memory_space<vmem>>) offsets(%arg22 : memref<2048xi32, #tpu.memory_space<vmem>>) semaphore(%arg30 : memref<!tpu.dma_semaphore, #tpu.memory_space<semaphore_mem>>)
      %dma_wait3A_65 = arith.constant 0 : i32
      %dma_wait3A_66 = tpu.memref_slice %arg24[%dma_wait3A_65] : memref<102400xf32, #tpu.memory_space<vmem_shared>> -> memref<102400xf32, #tpu.memory_space<vmem_shared>>
      tpu.wait_indirect_dma semaphore(%arg30 : memref<!tpu.dma_semaphore, #tpu.memory_space<semaphore_mem>>) src(%dma_wait3A_66 : memref<102400xf32, #tpu.memory_space<vmem_shared>>) dst(%arg16 : memref<2048xf32, #tpu.memory_space<vmem>>)
      %dma_wait3A_67 = arith.constant 0 : i32
      %dma_wait3A_68 = tpu.memref_slice %arg25[%dma_wait3A_67] : memref<102400xf32, #tpu.memory_space<vmem_shared>> -> memref<102400xf32, #tpu.memory_space<vmem_shared>>
      tpu.wait_indirect_dma semaphore(%arg30 : memref<!tpu.dma_semaphore, #tpu.memory_space<semaphore_mem>>) src(%dma_wait3A_68 : memref<102400xf32, #tpu.memory_space<vmem_shared>>) dst(%arg17 : memref<2048xf32, #tpu.memory_space<vmem>>)
      %dma_wait3A_69 = arith.constant 0 : i32
      %dma_wait3A_70 = tpu.memref_slice %arg26[%dma_wait3A_69] : memref<102400xf32, #tpu.memory_space<vmem_shared>> -> memref<102400xf32, #tpu.memory_space<vmem_shared>>
      tpu.wait_indirect_dma semaphore(%arg30 : memref<!tpu.dma_semaphore, #tpu.memory_space<semaphore_mem>>) src(%dma_wait3A_70 : memref<102400xf32, #tpu.memory_space<vmem_shared>>) dst(%arg18 : memref<2048xf32, #tpu.memory_space<vmem>>)
      %add3A_71 = arith.constant 196608 : i32
      %add3A_72 = arith.addi %add3A_71, %multiple_of3A_32 : i32
      %multiple_of3A_73 = tpu.assume_multiple %add3A_72, 128 : i32
      "tpu.region"() ({
        %run_scoped3A = tpu.sem_alloc : memref<!tpu.dma_semaphore, #tpu.memory_space<semaphore_mem>>
        %dma_start3A_80 = tpu.memref_slice %arg9[%multiple_of3A_73] : memref<294912xf32, #tpu.memory_space<hbm>> -> memref<2048xf32, #tpu.memory_space<hbm>>
        %dma_start3A_81 = tpu.memref_slice %arg9[%multiple_of3A_73] : memref<294912xf32, #tpu.memory_space<hbm>> -> memref<2048xf32, #tpu.memory_space<hbm>>
        tpu.enqueue_dma source(%arg16 : memref<2048xf32, #tpu.memory_space<vmem>>) target(%dma_start3A_81 : memref<2048xf32, #tpu.memory_space<hbm>>) target_semaphore(%run_scoped3A : memref<!tpu.dma_semaphore, #tpu.memory_space<semaphore_mem>>)
        %dma_wait3A_82 = tpu.memref_slice %arg9[%multiple_of3A_73] : memref<294912xf32, #tpu.memory_space<hbm>> -> memref<2048xf32, #tpu.memory_space<hbm>>
        %dma_wait3A_83 = tpu.memref_slice %arg9[%multiple_of3A_73] : memref<294912xf32, #tpu.memory_space<hbm>> -> memref<2048xf32, #tpu.memory_space<hbm>>
        tpu.wait_dma2 semaphore(%run_scoped3A : memref<!tpu.dma_semaphore, #tpu.memory_space<semaphore_mem>>) src(%arg16 : memref<2048xf32, #tpu.memory_space<vmem>>) dst(%dma_wait3A_83 : memref<2048xf32, #tpu.memory_space<hbm>>)
        tpu.yield
      }) : () -> ()
      %add3A_74 = arith.constant 229376 : i32
      %add3A_75 = arith.addi %add3A_74, %multiple_of3A_32 : i32
      %multiple_of3A_76 = tpu.assume_multiple %add3A_75, 128 : i32
      "tpu.region"() ({
        %run_scoped3A = tpu.sem_alloc : memref<!tpu.dma_semaphore, #tpu.memory_space<semaphore_mem>>
        %dma_start3A_80 = tpu.memref_slice %arg9[%multiple_of3A_76] : memref<294912xf32, #tpu.memory_space<hbm>> -> memref<2048xf32, #tpu.memory_space<hbm>>
        %dma_start3A_81 = tpu.memref_slice %arg9[%multiple_of3A_76] : memref<294912xf32, #tpu.memory_space<hbm>> -> memref<2048xf32, #tpu.memory_space<hbm>>
        tpu.enqueue_dma source(%arg17 : memref<2048xf32, #tpu.memory_space<vmem>>) target(%dma_start3A_81 : memref<2048xf32, #tpu.memory_space<hbm>>) target_semaphore(%run_scoped3A : memref<!tpu.dma_semaphore, #tpu.memory_space<semaphore_mem>>)
        %dma_wait3A_82 = tpu.memref_slice %arg9[%multiple_of3A_76] : memref<294912xf32, #tpu.memory_space<hbm>> -> memref<2048xf32, #tpu.memory_space<hbm>>
        %dma_wait3A_83 = tpu.memref_slice %arg9[%multiple_of3A_76] : memref<294912xf32, #tpu.memory_space<hbm>> -> memref<2048xf32, #tpu.memory_space<hbm>>
        tpu.wait_dma2 semaphore(%run_scoped3A : memref<!tpu.dma_semaphore, #tpu.memory_space<semaphore_mem>>) src(%arg17 : memref<2048xf32, #tpu.memory_space<vmem>>) dst(%dma_wait3A_83 : memref<2048xf32, #tpu.memory_space<hbm>>)
        tpu.yield
      }) : () -> ()
      %add3A_77 = arith.constant 262144 : i32
      %add3A_78 = arith.addi %add3A_77, %multiple_of3A_32 : i32
      %multiple_of3A_79 = tpu.assume_multiple %add3A_78, 128 : i32
      "tpu.region"() ({
        %run_scoped3A = tpu.sem_alloc : memref<!tpu.dma_semaphore, #tpu.memory_space<semaphore_mem>>
        %dma_start3A_80 = tpu.memref_slice %arg9[%multiple_of3A_79] : memref<294912xf32, #tpu.memory_space<hbm>> -> memref<2048xf32, #tpu.memory_space<hbm>>
        %dma_start3A_81 = tpu.memref_slice %arg9[%multiple_of3A_79] : memref<294912xf32, #tpu.memory_space<hbm>> -> memref<2048xf32, #tpu.memory_space<hbm>>
        tpu.enqueue_dma source(%arg18 : memref<2048xf32, #tpu.memory_space<vmem>>) target(%dma_start3A_81 : memref<2048xf32, #tpu.memory_space<hbm>>) target_semaphore(%run_scoped3A : memref<!tpu.dma_semaphore, #tpu.memory_space<semaphore_mem>>)
        %dma_wait3A_82 = tpu.memref_slice %arg9[%multiple_of3A_79] : memref<294912xf32, #tpu.memory_space<hbm>> -> memref<2048xf32, #tpu.memory_space<hbm>>
        %dma_wait3A_83 = tpu.memref_slice %arg9[%multiple_of3A_79] : memref<294912xf32, #tpu.memory_space<hbm>> -> memref<2048xf32, #tpu.memory_space<hbm>>
        tpu.wait_dma2 semaphore(%run_scoped3A : memref<!tpu.dma_semaphore, #tpu.memory_space<semaphore_mem>>) src(%arg18 : memref<2048xf32, #tpu.memory_space<vmem>>) dst(%dma_wait3A_83 : memref<2048xf32, #tpu.memory_space<hbm>>)
        tpu.yield
      }) : () -> ()
    } else {
    }
    %eq3A_45 = arith.constant 1 : i32
    %eq3A_46 = arith.cmpi eq, %arg0, %eq3A_45 : i32
    %convert_element_type3A_47 = arith.extui %eq3A_46 : i1 to i32
    %cond3A_48 = arith.constant 0 : i32
    %cond3A_49 = arith.cmpi ne, %convert_element_type3A_47, %cond3A_48 : i32
    scf.if %cond3A_49 {
      %add3A_50 = arith.constant 98304 : i32
      %add3A_51 = arith.addi %add3A_50, %multiple_of3A_32 : i32
      %multiple_of3A_52 = tpu.assume_multiple %add3A_51, 128 : i32
      "tpu.region"() ({
        %run_scoped3A = tpu.sem_alloc : memref<!tpu.dma_semaphore, #tpu.memory_space<semaphore_mem>>
        %dma_start3A_59 = tpu.memref_slice %arg9[%multiple_of3A_52] : memref<294912xf32, #tpu.memory_space<hbm>> -> memref<2048xf32, #tpu.memory_space<hbm>>
        %dma_start3A_60 = tpu.memref_slice %arg9[%multiple_of3A_52] : memref<294912xf32, #tpu.memory_space<hbm>> -> memref<2048xf32, #tpu.memory_space<hbm>>
        tpu.enqueue_dma source(%arg13 : memref<2048xf32, #tpu.memory_space<vmem>>) target(%dma_start3A_60 : memref<2048xf32, #tpu.memory_space<hbm>>) target_semaphore(%run_scoped3A : memref<!tpu.dma_semaphore, #tpu.memory_space<semaphore_mem>>)
        %dma_wait3A_61 = tpu.memref_slice %arg9[%multiple_of3A_52] : memref<294912xf32, #tpu.memory_space<hbm>> -> memref<2048xf32, #tpu.memory_space<hbm>>
        %dma_wait3A_62 = tpu.memref_slice %arg9[%multiple_of3A_52] : memref<294912xf32, #tpu.memory_space<hbm>> -> memref<2048xf32, #tpu.memory_space<hbm>>
        tpu.wait_dma2 semaphore(%run_scoped3A : memref<!tpu.dma_semaphore, #tpu.memory_space<semaphore_mem>>) src(%arg13 : memref<2048xf32, #tpu.memory_space<vmem>>) dst(%dma_wait3A_62 : memref<2048xf32, #tpu.memory_space<hbm>>)
        tpu.yield
      }) : () -> ()
      %add3A_53 = arith.constant 131072 : i32
      %add3A_54 = arith.addi %add3A_53, %multiple_of3A_32 : i32
      %multiple_of3A_55 = tpu.assume_multiple %add3A_54, 128 : i32
      "tpu.region"() ({
        %run_scoped3A = tpu.sem_alloc : memref<!tpu.dma_semaphore, #tpu.memory_space<semaphore_mem>>
        %dma_start3A_59 = tpu.memref_slice %arg9[%multiple_of3A_55] : memref<294912xf32, #tpu.memory_space<hbm>> -> memref<2048xf32, #tpu.memory_space<hbm>>
        %dma_start3A_60 = tpu.memref_slice %arg9[%multiple_of3A_55] : memref<294912xf32, #tpu.memory_space<hbm>> -> memref<2048xf32, #tpu.memory_space<hbm>>
        tpu.enqueue_dma source(%arg14 : memref<2048xf32, #tpu.memory_space<vmem>>) target(%dma_start3A_60 : memref<2048xf32, #tpu.memory_space<hbm>>) target_semaphore(%run_scoped3A : memref<!tpu.dma_semaphore, #tpu.memory_space<semaphore_mem>>)
        %dma_wait3A_61 = tpu.memref_slice %arg9[%multiple_of3A_55] : memref<294912xf32, #tpu.memory_space<hbm>> -> memref<2048xf32, #tpu.memory_space<hbm>>
        %dma_wait3A_62 = tpu.memref_slice %arg9[%multiple_of3A_55] : memref<294912xf32, #tpu.memory_space<hbm>> -> memref<2048xf32, #tpu.memory_space<hbm>>
        tpu.wait_dma2 semaphore(%run_scoped3A : memref<!tpu.dma_semaphore, #tpu.memory_space<semaphore_mem>>) src(%arg14 : memref<2048xf32, #tpu.memory_space<vmem>>) dst(%dma_wait3A_62 : memref<2048xf32, #tpu.memory_space<hbm>>)
        tpu.yield
      }) : () -> ()
      %add3A_56 = arith.constant 163840 : i32
      %add3A_57 = arith.addi %add3A_56, %multiple_of3A_32 : i32
      %multiple_of3A_58 = tpu.assume_multiple %add3A_57, 128 : i32
      "tpu.region"() ({
        %run_scoped3A = tpu.sem_alloc : memref<!tpu.dma_semaphore, #tpu.memory_space<semaphore_mem>>
        %dma_start3A_59 = tpu.memref_slice %arg9[%multiple_of3A_58] : memref<294912xf32, #tpu.memory_space<hbm>> -> memref<2048xf32, #tpu.memory_space<hbm>>
        %dma_start3A_60 = tpu.memref_slice %arg9[%multiple_of3A_58] : memref<294912xf32, #tpu.memory_space<hbm>> -> memref<2048xf32, #tpu.memory_space<hbm>>
        tpu.enqueue_dma source(%arg15 : memref<2048xf32, #tpu.memory_space<vmem>>) target(%dma_start3A_60 : memref<2048xf32, #tpu.memory_space<hbm>>) target_semaphore(%run_scoped3A : memref<!tpu.dma_semaphore, #tpu.memory_space<semaphore_mem>>)
        %dma_wait3A_61 = tpu.memref_slice %arg9[%multiple_of3A_58] : memref<294912xf32, #tpu.memory_space<hbm>> -> memref<2048xf32, #tpu.memory_space<hbm>>
        %dma_wait3A_62 = tpu.memref_slice %arg9[%multiple_of3A_58] : memref<294912xf32, #tpu.memory_space<hbm>> -> memref<2048xf32, #tpu.memory_space<hbm>>
        tpu.wait_dma2 semaphore(%run_scoped3A : memref<!tpu.dma_semaphore, #tpu.memory_space<semaphore_mem>>) src(%arg15 : memref<2048xf32, #tpu.memory_space<vmem>>) dst(%dma_wait3A_62 : memref<2048xf32, #tpu.memory_space<hbm>>)
        tpu.yield
      }) : () -> ()
    } else {
    }
    return
  }
}

module attributes {stable_mosaic.version = 14 : i64} {
  func.func @_tc_w_body(%arg0: i32, %arg1: memref<6400x32xf32, #tpu.memory_space<vmem>>, %arg2: memref<32x16xf32, #tpu.memory_space<vmem>>, %arg3: memref<1x16xf32, #tpu.memory_space<vmem>>, %arg4: memref<16x1xf32, #tpu.memory_space<vmem>>, %arg5: memref<1x1xf32, #tpu.memory_space<vmem>>, %arg6: memref<1x1x6400xf32, #tpu.memory_space<vmem>>) attributes {dimension_semantics = [#tpu.dimension_semantics<arbitrary>], iteration_bounds = array<i64: 250>, scalar_prefetch = 0 : i64, scratch_operands = 0 : i64, tpu.core_type = #tpu.core_type<tc>, window_params = [{transform_indices = @transform_0, window_bounds = array<i64: 6400, 32>}, {pipeline_mode = #tpu.pipeline_mode<synchronous>, transform_indices = @transform_1, window_bounds = array<i64: 32, 16>}, {pipeline_mode = #tpu.pipeline_mode<synchronous>, transform_indices = @transform_2, window_bounds = array<i64: 1, 16>}, {pipeline_mode = #tpu.pipeline_mode<synchronous>, transform_indices = @transform_3, window_bounds = array<i64: 16, 1>}, {pipeline_mode = #tpu.pipeline_mode<synchronous>, transform_indices = @transform_4, window_bounds = array<i64: 1, 1>}, {transform_indices = @transform_5, window_bounds = array<i64: 1, 1, 6400>}]} {
    %get3A = arith.constant 0 : index
    %get3A_0 = arith.constant 0 : index
    %get3A_1 = vector.load %arg1[%get3A, %get3A_0] : memref<6400x32xf32, #tpu.memory_space<vmem>>, vector<6400x32xf32>
    %get3A_2 = arith.constant 0 : index
    %get3A_3 = arith.constant 0 : index
    %get3A_4 = vector.load %arg2[%get3A_2, %get3A_3] : memref<32x16xf32, #tpu.memory_space<vmem>>, vector<32x16xf32>
    %dot_general3A = arith.constant dense<0.000000e+00> : vector<6400x16xf32>
    %dot_general3A_5 = tpu.matmul %get3A_1, %get3A_4, %dot_general3A {dimension_numbers = #tpu.dot_dimension_numbers<[1], [0], [0], [1], [0, 0, 1, 1], [], []>, transpose_lhs_hint = false} : vector<6400x32xf32>, vector<32x16xf32>, vector<6400x16xf32> -> vector<6400x16xf32>
    %get3A_6 = arith.constant 0 : index
    %get3A_7 = arith.constant 0 : index
    %get3A_8 = vector.load %arg3[%get3A_6, %get3A_7] : memref<1x16xf32, #tpu.memory_space<vmem>>, vector<1x16xf32>
    %add3A = vector.broadcast %get3A_8 : vector<1x16xf32> to vector<6400x16xf32>
    %add3A_9 = arith.addf %dot_general3A_5, %add3A : vector<6400x16xf32>
    %ge3A = arith.constant 0.000000e+00 : f32
    %ge3A_10 = vector.broadcast %ge3A : f32 to vector<6400x16xf32>
    %ge3A_11 = arith.cmpf oge, %add3A_9, %ge3A_10 : vector<6400x16xf32>
    %mul3A = arith.constant 0.00999999977 : f32
    %mul3A_12 = vector.broadcast %mul3A : f32 to vector<6400x16xf32>
    %mul3A_13 = arith.mulf %mul3A_12, %add3A_9 : vector<6400x16xf32>
    %select_n3A = arith.select %ge3A_11, %add3A_9, %mul3A_13 : vector<6400x16xi1>, vector<6400x16xf32>
    %get3A_14 = arith.constant 0 : index
    %get3A_15 = arith.constant 0 : index
    %get3A_16 = vector.load %arg4[%get3A_14, %get3A_15] : memref<16x1xf32, #tpu.memory_space<vmem>>, vector<16x1xf32>
    %dot_general3A_17 = arith.constant dense<0.000000e+00> : vector<6400x1xf32>
    %dot_general3A_18 = tpu.matmul %select_n3A, %get3A_16, %dot_general3A_17 {dimension_numbers = #tpu.dot_dimension_numbers<[1], [0], [0], [1], [0, 0, 1, 1], [], []>, transpose_lhs_hint = false} : vector<6400x16xf32>, vector<16x1xf32>, vector<6400x1xf32> -> vector<6400x1xf32>
    %get3A_19 = arith.constant 0 : index
    %get3A_20 = arith.constant 0 : index
    %get3A_21 = vector.load %arg5[%get3A_19, %get3A_20] : memref<1x1xf32, #tpu.memory_space<vmem>>, vector<1x1xf32>
    %get3A_22 = vector.extract %get3A_21[0, 0] : f32 from vector<1x1xf32>
    %add3A_23 = vector.broadcast %get3A_22 : f32 to vector<6400x1xf32>
    %add3A_24 = arith.addf %dot_general3A_18, %add3A_23 : vector<6400x1xf32>
    %transpose3A = tpu.transpose %add3A_24, [1, 0] : vector<6400x1xf32> -> vector<1x6400xf32>
    %broadcast_in_dim3A = vector.shape_cast %transpose3A : vector<1x6400xf32> to vector<1x1x6400xf32>
    %swap3A = arith.constant 0 : index
    %swap3A_25 = arith.constant 0 : index
    %swap3A_26 = arith.constant 0 : index
    %swap3A_27 = vector.load %arg6[%swap3A, %swap3A_25, %swap3A_26] : memref<1x1x6400xf32, #tpu.memory_space<vmem>>, vector<1x1x6400xf32>
    tpu.vector_store %arg6[%swap3A, %swap3A_25, %swap3A_26], %broadcast_in_dim3A {strides = array<i32>} : memref<1x1x6400xf32, #tpu.memory_space<vmem>>, vector<1x1x6400xf32>,
    return
  }
  func.func @transform_0(%arg0: i32) -> (i32, i32) {
    %c0_i32 = arith.constant 0 : i32
    %c0_i32_0 = arith.constant 0 : i32
    return %arg0, %c0_i32 : i32, i32
  }
  func.func @transform_1(%arg0: i32) -> (i32, i32) {
    %c0_i32 = arith.constant 0 : i32
    %c0_i32_0 = arith.constant 0 : i32
    %c0_i32_1 = arith.constant 0 : i32
    return %c0_i32, %c0_i32_0 : i32, i32
  }
  func.func @transform_2(%arg0: i32) -> (i32, i32) {
    %c0_i32 = arith.constant 0 : i32
    %c0_i32_0 = arith.constant 0 : i32
    %c0_i32_1 = arith.constant 0 : i32
    return %c0_i32, %c0_i32_0 : i32, i32
  }
  func.func @transform_3(%arg0: i32) -> (i32, i32) {
    %c0_i32 = arith.constant 0 : i32
    %c0_i32_0 = arith.constant 0 : i32
    %c0_i32_1 = arith.constant 0 : i32
    return %c0_i32, %c0_i32_0 : i32, i32
  }
  func.func @transform_4(%arg0: i32) -> (i32, i32) {
    %c0_i32 = arith.constant 0 : i32
    %c0_i32_0 = arith.constant 0 : i32
    %c0_i32_1 = arith.constant 0 : i32
    return %c0_i32, %c0_i32_0 : i32, i32
  }
  func.func @transform_5(%arg0: i32) -> (i32, i32, i32) {
    %c0_i32 = arith.constant 0 : i32
    %c0_i32_0 = arith.constant 0 : i32
    %c0_i32_1 = arith.constant 0 : i32
    return %arg0, %c0_i32, %c0_i32_0 : i32, i32, i32
  }
}

</mosaic_0001>

<sc_bundles>
// kernel: kernel.4.cloned.1.call-start
scs
__scs_entry_jumppad:
0x0: {  	(pc) =	sbr.rel $0x88, $3  }
0x1: {  	(tag) =	ssettag $0x0;
	lr =	simm.s32 $0x1  }
0x2: {  	[smem:$0x3F96] =	sst lr;
	_ =	strace $0xD0000000  }
0x3: {  	_ = 	snop  }
0x4: {  	_ = 	snop  }
0x5: {  	_ = 	snop  }
0x6: {  	_ = 	snop  }
0x7: {  	_ = 	snop  }
__scs_overlays_trampoline_lowered:
0x8: {  	[smem:$0x3FA5] =	sst s0  }
0x9: {  	[smem:$0x3FA6] =	sst s1  }
0xa: {  	[smem:$0x3FA7] =	sst s2  }
0xb: {  	[smem:$0x3FA8] =	sst s3  }
0xc: {  	[smem:$0x3FA9] =	sst s4  }
0xd: {  	[smem:$0x3FAA] =	sst s5  }
0xe: {  	[smem:$0x3FAB] =	sst s6  }
0xf: {  	[smem:$0x3FAC] =	sst s7  }
0x10: {  	[smem:$0x3FAD] =	sst s8  }
0x11: {  	[smem:$0x3FAE] =	sst s9;
	s0 =	simm.s32 @!p0 $0x0  }
0x12: {  	s1 =	sld [smem:$0x3F94];
	s0 =	simm.s32 @p0 $0x1  }
0x13: {  	[smem:$0x3FAF] =	sst s0;
	s0 =	simm.s32 @!p1 $0x0  }
0x14: {  	s2 =	sld [smem:$0x3F93];
	s0 =	simm.s32 @p1 $0x1  }
0x15: {  	[smem:$0x3FB0] =	sst s0;
	s0 =	simm.s32 @!p2 $0x0  }
0x16: {  	s3 =	sld [smem:$0x3FDB];
	s0 =	simm.s32 @p2 $0x1  }
0x17: {  	s4 =	simm.s32 $0x1BF5;
	[smem:$0x3FB2] =	sst s0  }
0x18: {  	s0 =	sld [smem:$0x3F95];
	_ =	swait.ge [sflag:s4], $0x0  }
0x19: {  	s7 =	sld [smem:$0x3F96]  }
0x1a: {  	s8 =	sadd.s32 $0xFFFFE003, lr  }
0x1b: {  	s9 =	sadd.s32 $0xFFFFFEF7, lr;
	s5 =	simm.s32 $0xFFFFFFFF;
	p2 =	slt.u32 s8, $0xFFFFF086  }
0x1c: {  	p1 =	slt.u32 s9, $0xF7A;
	s5 =	simm.s32 @!p2 $0x0  }
0x1d: {  	s5 =	simm.s32 @p1 $0x1;
	p0 =	seq.s32 s7, s2  }
0x1e: {  	s7 =	smul.u32 @!p0 $0xF7A, s2;
	p2 =	seq.s32 @!p0 s5, $0x0  }
0x1f: {  	s9 =	smul.u32 $0xF7A, s1;
	s8 =	simm.s32 @!p0 $0x1BF5;
	p2 =	por !p2, p0  }
0x20: {  	[sflag:s8] =	ssyncset.s32 @!p0 $0xFFFFF086;
	s6 =	sadd.s32 @!p0 s3, s7;
	s7 =	simm.s32 @!p0 $0x108  }
0x21: {  	s3 =	sadd.s32 s3, s9;
	s6 =	sadd.s32 @!p0 $0x88, s6;
	s7 =	simm.s32 @p2 $0x1082  }
0x22: {  	[simem:s7], [sflag:s8] =	dma.local @!p0 [hbm:s6], $0xF7A  }
0x23: {  	s9 =	sor.u32 $0xD0000000, s2;
	s6 =	simm.s32 $0x108;
	_ =	swait.ge @!p0 [sflag:s8], $0x0  }
0x24: {  	s3 =	sadd.s32 $0x88, s3;
	s6 =	simm.s32 @!p1 $0x1082;
	[sflag:s4] =	ssyncset.s32 $0xFFFFF086  }
0x25: {  	[simem:s6], [sflag:s4] =	dma.local [hbm:s3], $0xF7A  }
0x26: {  	[smem:$0x3F96] =	sst s1;
	(tag) =	ssettag s2;
	_ =	strace s9  }
0x27: {  	s1 =	sld [smem:$0x3FA6]  }
0x28: {  	s2 =	sld [smem:$0x3FA7]  }
0x29: {  	s4 =	sld [smem:$0x3FA9]  }
0x2a: {  	p0 =	seq.s32 s5, $0x0;
	s5 =	sld [smem:$0x3FAA]  }
0x2b: {  	s6 =	sld [smem:$0x3FAB]  }
0x2c: {  	s7 =	sld [smem:$0x3FAC]  }
0x2d: {  	s3 =	simm.s32 $0x108;
	s8 =	sld [smem:$0x3FAD]  }
0x2e: {  	s3 =	simm.s32 @!p0 $0x1082;
	s9 =	sld [smem:$0x3FAE]  }
0x2f: {  	lr =	sadd.s32 s0, s3;
	s0 =	sld [smem:$0x3FA5]  }
0x30: {  	s3 =	sld [smem:$0x3FA8]  }
0x31: {  	[smem:$0x3FB1] =	sst s10  }
0x32: {  	s10 =	sld [smem:$0x3FAF];
	_ =	sdelay $0x3  }
0x33: {  	p0 =	seq.s32 s10, $0x1;
	s10 =	sld [smem:$0x3FB1];
	_ =	sdelay $0x3  }
0x34: {  	[smem:$0x3FB1] =	sst s10  }
0x35: {  	s10 =	sld [smem:$0x3FB0];
	_ =	sdelay $0x3  }
0x36: {  	p1 =	seq.s32 s10, $0x1;
	s10 =	sld [smem:$0x3FB1];
	_ =	sdelay $0x3  }
0x37: {  	[smem:$0x3FB1] =	sst s10  }
0x38: {  	s10 =	sld [smem:$0x3FB2]  }
0x39: {  	_ = 	snop;
	(pc) =	sbr.ind lr, $3  }
0x3a: {  	_ = 	snop  }
0x3b: {  	_ = 	snop  }
0x3c: {  	p2 =	seq.s32 s10, $0x1;
	s10 =	sld [smem:$0x3FB1]  }
0x3d: {  	_ =	shalt  }
0x3e: {  	_ =	shalt  }
0x3f: {  	_ =	shalt  }
0x40: {  	_ =	shalt  }
0x41: {  	_ =	shalt  }
0x42: {  	_ =	shalt  }
0x43: {  	_ =	shalt  }
0x44: {  	_ =	shalt  }
0x45: {  	_ =	shalt  }
0x46: {  	_ =	shalt  }
0x47: {  	_ =	shalt  }
0x48: {  	_ =	shalt  }
0x49: {  	_ =	shalt  }
0x4a: {  	_ =	shalt  }
0x4b: {  	_ =	shalt  }
0x4c: {  	_ =	shalt  }
0x4d: {  	_ =	shalt  }
0x4e: {  	_ =	shalt  }
0x4f: {  	_ =	shalt  }
0x50: {  	_ =	shalt  }
0x51: {  	_ =	shalt  }
0x52: {  	_ =	shalt  }
0x53: {  	_ =	shalt  }
0x54: {  	_ =	shalt  }
0x55: {  	_ =	shalt  }
0x56: {  	_ =	shalt  }
0x57: {  	_ =	shalt  }
0x58: {  	_ =	shalt  }
0x59: {  	_ =	shalt  }
0x5a: {  	_ =	shalt  }
0x5b: {  	_ =	shalt  }
0x5c: {  	_ =	shalt  }
0x5d: {  	_ =	shalt  }
0x5e: {  	_ =	shalt  }
0x5f: {  	_ =	shalt  }
0x60: {  	_ =	shalt  }
0x61: {  	_ =	shalt  }
0x62: {  	_ =	shalt  }
0x63: {  	_ =	shalt  }
0x64: {  	_ =	shalt  }
0x65: {  	_ =	shalt  }
0x66: {  	_ =	shalt  }
0x67: {  	_ =	shalt  }
0x68: {  	_ =	shalt  }
0x69: {  	_ =	shalt  }
0x6a: {  	_ =	shalt  }
0x6b: {  	_ =	shalt  }
0x6c: {  	_ =	shalt  }
0x6d: {  	_ =	shalt  }
0x6e: {  	_ =	shalt  }
0x6f: {  	_ =	shalt  }
0x70: {  	_ =	shalt  }
0x71: {  	_ =	shalt  }
0x72: {  	_ =	shalt  }
0x73: {  	_ =	shalt  }
0x74: {  	_ =	shalt  }
0x75: {  	_ =	shalt  }
0x76: {  	_ =	shalt  }
0x77: {  	_ =	shalt  }
0x78: {  	_ =	shalt  }
0x79: {  	_ =	shalt  }
0x7a: {  	_ =	shalt  }
0x7b: {  	_ =	shalt  }
0x7c: {  	_ =	shalt  }
0x7d: {  	_ =	shalt  }
0x7e: {  	_ =	shalt  }
0x7f: {  	_ =	shalt  }
0x80: {  	_ =	shalt  }
0x81: {  	_ =	shalt  }
0x82: {  	_ =	shalt  }
0x83: {  	_ =	shalt  }
0x84: {  	_ =	shalt  }
0x85: {  	_ =	shalt  }
0x86: {  	_ =	shalt  }
0x87: {  	_ =	shalt  }
.Lfunc_end0:
.L_simem_size_0:
called_computation_lowered:
.L_overlay_start_0:
0x88: {  	s2 =	sld [smem:$0x3FD9]  }
0x89: {  	s3 =	sld [smem:$0x3FFE];
	_ =	sdelay $0x1  }
0x8a: {  	s1 =	srdreg.scid  }
0x8b: {  	s0 =	sand.u32 $0x1, s1  }
0x8c: {  	s17 =	sshll.u32 s0, $0xA;
	s2 =	sadd.s32 s3, s2  }
0x8d: {  	s2 =	sadd.s32 s2, s17  }
0x8e: {  	[smem:$0x3FBD] =	sst s2  }
0x8f: {  	_ = 	snop  }
0x90: {  	s2 =	sld [smem:$0x3FD0];
	(tm) =	ssettm $0x1  }
0x91: {  	s18 =	sld [smem:$0x3FFB];
	_ =	sdelay $0x3  }
0x92: {  	_ =	strace s18  }
0x93: {  	s3 =	sld [smem:$0x3FFC];
	_ =	sdelay $0x3  }
0x94: {  	_ =	strace s3  }
0x95: {  	s3 =	sld [smem:$0x3FFD];
	_ =	sdelay $0x3  }
0x96: {  	_ =	strace s3  }
0x97: {  	_ =	strace $0x8FFFFFFF  }
0x98: {  	s19 =	sld [smem:$0x3FDB];
	_ =	sdelay $0x1  }
0x99: {  	s4 =	simm.s32 $_scs_section_size  }
0x9a: {  	s5 =	simm.s32 $_size__tile_overlayer_lowered;
	s6 =	simm.s32 $_tile_overlayer_lowered  }
0x9b: {  	s22 =	simm.s32 $0x1BFF;
	s21 =	sshll.u32 s6, $0x1;
	s3 =	sadd.s32 s4, s19  }
0x9c: {  	s7 =	simm.s32 $0x0;
	s20 =	sshll.u32 s5, $0x1;
	s5 =	sadd.s32 s21, s3  }
0x9d: {  	[timem:s7], [sflag:s22] =	dma.local [hbm:s5], s20  }
0x9e: {  	_ =	swait.ge [sflag:s22], s20  }
0x9f: {  	s4 =	ssub.s32 $0x0, s20;
	[sflag:s22] =	ssyncset.done $0x0  }
0xa0: {  	[sflag:s22] =	ssyncadd.s32 s4;
	_ =	sdelay $0x1  }
0xa1: {  	s23 =	simm.s32 $0x1B8B  }
0xa2: {  	_ =	swait.ge [sflag:s23], $0x1  }
0xa3: {  	[sflag:s23] =	ssyncset.done $0x0  }
0xa4: {  	s25 =	simm.s32 $0x1B8E;
	s24 =	sld [smem:$0x3FFE];
	[sflag:s23] =	ssyncadd.s32 $0xFFFFFFFF  }
0xa5: {  	s26 =	simm.s32 $execute0_lowered;
	[smem:$0x3FD2] =	sst s25  }
0xa6: {  	s5 =	sshll.u32 s26, $0x1;
	_ =	strace $0x80000046;
	[dreg:$0x1] =	wrdreg $0xFFFFFFFF  }
0xa7: {  	s28 =	simm.s32 $_size_execute0_lowered;
	s3 =	sadd.s32 s3, s5;
	[dreg:$0x0] =	wrdreg $0x0  }
0xa8: {  	s5 =	sshll.u32 s28, $0x1;
	[dreg:$0x2] =	wrdreg s3  }
0xa9: {  	[dreg:$0x3] =	wrdreg s5  }
0xaa: {  	[dreg:$0x4] =	wrdreg $0xC0  }
0xab: {  	_ =	task [dreg:s7], $0x5FFFF  }
0xac: {  	[dreg:$0x1] =	wrdreg $0xFFFFFFFF  }
0xad: {  	[dreg:$0x0] =	wrdreg $0x60  }
0xae: {  	[dreg:$0x2] =	wrdreg s24  }
0xaf: {  	[dreg:$0x3] =	wrdreg s2  }
0xb0: {  	[dreg:$0x4] =	wrdreg $0x6A800  }
0xb1: {  	[dreg:$0x5] =	wrdreg $0x83800  }
0xb2: {  	[dreg:$0x6] =	wrdreg $0x9C800  }
0xb3: {  	[dreg:$0x7] =	wrdreg $0xB5800  }
0xb4: {  	[dreg:$0x8] =	wrdreg $0xCE800  }
0xb5: {  	[dreg:$0x9] =	wrdreg $0xE7800  }
0xb6: {  	[dreg:$0xa] =	wrdreg $0x9  }
0xb7: {  	_ =	task.clear_ibuf [dreg:s7], $0xBFFFF;
	_ =	strace $0x90000046  }
0xb8: {  	s29 =	simm.s32 $0x9;
	_ =	strace $0x80000048  }
0xb9: {  	_ =	swait.ge [sflag:s29], $0x1  }
0xba: {  	[sflag:s29] =	ssyncadd.s32 $0xFFFFFFFF  }
0xbb: {  	_ =	strace $0x90000048  }
0xbc: {  	_ =	sfence  }
0xbd: {  	s30 =	sld [smem:$0x0];
	_ =	sdelay $0x2  }
0xbe: {  	s31 =	sshll.u32 s1, $0xD;
	s1 =	sshrl.u32 s1, $0x2  }
0xbf: {  	s3 =	sand.u32 $0x4000, s31;
	s1 =	sadd.s32 s1, s30  }
0xc0: {  	s0 =	sor.u32 s3, s0;
	s1 =	sshll.u32 s1, $0x11  }
0xc1: {  	s0 =	sor.u32 s1, s0  }
0xc2: {  	s0 =	sadd.s32 $0x8F2B, s0  }
0xc3: {  	[sflag:s0] =	ssyncadd.remote.s32 $0x1  }
0xc4: {  	_ =	sfence.sel $0xFFFF  }
0xc5: {  	[dreg:$0x0] =	wrdreg $0xFFFFFFFF;
	(pc) =	sbr.abs _section_cstart, $3  }
0xc6: {  	[dreg:$0x1] =	wrdreg $0xFFFFFFFF  }
0xc7: {  	_ =	task.clear_ibuf [dreg:s7], $0x2FFFF;
	_ =	strace $0x9FFFFFFF  }
0xc8: {  	(tm) =	ssettm $0x7FFFFFFF  }
0xc9: {  	_ =	shalt  }
tec
execute0_lowered:
.L_overlay_start_1:
0x0: {  	(tag) =	ssettag $0x1  }
0x1: {  	s0 =	rddreg [dreg:$0x0]  }
0x2: {  	s4 =	rddreg [dreg:$0x1]  }
0x3: {  	s1 =	rddreg [dreg:$0x2]  }
0x4: {  	s2 =	rddreg [dreg:$0x3]  }
0x5: {  	s3 =	rddreg [dreg:$0x4]  }
0x6: {  	s6 =	rddreg [dreg:$0x5]  }
0x7: {  	s21 =	rddreg [dreg:$0x6]  }
0x8: {  	s20 =	rddreg [dreg:$0x7];
	s7 =	simm.s32 $0x0;
	s5 =	srdreg.scid  }
0x9: {  	s17 =	stileid.u32;
	[smem:$0x7FF] =	sst s7;
	s9 =	sadd.s32 $0x93C00, s0  }
0xa: {  	s10 =	sadd.s32 $0x9600, s0;
	s5 =	sand.u32 $0x1, s5;
	s12 =	sshll.u32 s17, $0x8  }
0xb: {  	s14 =	smul.u32 $0x1900, s17;
	s26 =	sshll.u32 s17, $0x1;
	s17 =	sshll.u32 s17, $0x6  }
0xc: {  	s19 =	sadd.s32 $0x3F600, s0;
	_ =	strace $0x80000047;
	s8 =	ssub.s32 $0x2, s5  }
0xd: {  	s15 =	sadd.s32 s12, s0;
	s28 =	sor.u32 $0x1C02, s17;
	p0 =	seq.s32 s5, $0x1  }
0xe: {  	s17 =	sadd.s32 $0x42600, s0;
	s4 =	sadd.s32 s4, s12;
	[dreg:$0xa] =	wrdreg s28  }
0xf: {  	s13 =	sshrl.u32 s8, $0x1;
	[dreg:$0xb] =	wrdreg s4;
	s24 =	sadd.s32 $0x3B600, s15  }
0x10: {  	s18 =	sadd.s32 s14, s1;
	s25 =	sadd.s32 $0x3C600, s15;
	[dreg:$0x12] =	wrdreg s24  }
0x11: {  	s17 =	smov.u32 @p0 s19;
	s4 =	sadd.s32 s14, s6;
	[dreg:$0x13] =	wrdreg s25  }
0x12: {  	s8 =	ssub.s32 s8, s13;
	s17 =	sadd.s32 s12, s17;
	[dreg:$0xf] =	wrdreg s4  }
0x13: {  	s13 =	sor.u32 s5, s26;
	s26 =	sadd.s32 $0x3D600, s15;
	[dreg:$0xd] =	wrdreg s17  }
0x14: {  	s16 =	sshrl.u32 s14, $0x3;
	s28 =	sshrl.u32 s18, $0x3;
	[dreg:$0x14] =	wrdreg s26  }
0x15: {  	s11 =	sadd.s32 $0x61C00, s0;
	s22 =	sadd.s32 s0, s16;
	[dreg:$0x16] =	wrdreg s28  }
0x16: {  	s29 =	smov.u32 s21;
	s18 =	sadd.s32 $0x780, s4;
	[dreg:$0x9] =	wrdreg s22  }
0x17: {  	s19 =	sadd.s32 s14, s2;
	s24 =	sadd.s32 $0x1400, s4;
	[dreg:$0x1d] =	wrdreg s18  }
0x18: {  	s5 =	sadd.s32 $0x41600, s0;
	s25 =	sadd.s32 $0x1680, s4;
	[smem:$0x7EA] =	sst s24  }
0x19: {  	s16 =	sadd.s32 $0x3E600, s0;
	s8 =	smax.u32 s8, $0x1;
	[smem:$0x7EB] =	sst s25  }
0x1a: {  	s5 =	smov.u32 @p0 s16;
	s15 =	sadd.s32 $0x6400, s22;
	[dreg:$0x15] =	wrdreg s8  }
0x1b: {  	s16 =	sadd.s32 $0x43600, s0;
	s17 =	sadd.s32 $0x500, s4;
	[dreg:$0x1a] =	wrdreg s15  }
0x1c: {  	s23 =	sadd.s32 s12, s5;
	s5 =	sadd.s32 s14, s21;
	[dreg:$0x1c] =	wrdreg s17  }
0x1d: {  	s21 =	smul.u32 $0xC800, s13;
	s13 =	sshrl.u32 s19, $0x3;
	[dreg:$0xe] =	wrdreg s23  }
0x1e: {  	s0 =	sadd.s32 $0x40600, s0;
	s19 =	sadd.s32 $0xA00, s4;
	[dreg:$0x17] =	wrdreg s13  }
0x1f: {  	s16 =	smov.u32 @p0 s0;
	[dreg:$0x1e] =	wrdreg s19  }
0x20: {  	s0 =	sadd.s32 s14, s3;
	s16 =	sadd.s32 s12, s16;
	[dreg:$0x10] =	wrdreg s5  }
0x21: {  	s0 =	sshrl.u32 s0, $0x3;
	[dreg:$0xc] =	wrdreg s16  }
0x22: {  	s12 =	sadd.s32 s14, s20;
	s14 =	sadd.s32 $0x3200, s22;
	[dreg:$0x18] =	wrdreg s0  }
0x23: {  	s6 =	smov.u32 s20;
	s20 =	sadd.s32 $0xC80, s4;
	[dreg:$0x19] =	wrdreg s14  }
0x24: {  	s22 =	sadd.s32 $0xF00, s4;
	[dreg:$0x1f] =	wrdreg s20  }
0x25: {  	s23 =	sadd.s32 $0x1180, s4;
	[smem:$0x7E8] =	sst s22  }
0x26: {  	s26 =	sadd.s32 $0x280, s5;
	[smem:$0x7E9] =	sst s23  }
0x27: {  	s28 =	sadd.s32 $0x500, s5;
	[smem:$0x7EC] =	sst s26  }
0x28: {  	s8 =	sadd.s32 $0xA00, s5;
	[smem:$0x7ED] =	sst s28  }
0x29: {  	s13 =	sadd.s32 $0xC80, s5;
	[smem:$0x7EF] =	sst s8  }
0x2a: {  	s15 =	sadd.s32 $0x1180, s5;
	[smem:$0x7F0] =	sst s13  }
0x2b: {  	s17 =	sadd.s32 $0x1680, s5;
	[smem:$0x7F2] =	sst s15  }
0x2c: {  	[smem:$0x7F4] =	sst s17  }
0x2d: {  	s16 =	sadd.s32 $0x280, s4;
	[dreg:$0x11] =	wrdreg s12  }
0x2e: {  	s4 =	sadd.s32 $0x780, s5;
	[dreg:$0x1b] =	wrdreg s16  }
0x2f: {  	s14 =	sadd.s32 $0xF00, s5;
	[smem:$0x7EE] =	sst s4  }
0x30: {  	s18 =	sadd.s32 $0x280, s12;
	[smem:$0x7F1] =	sst s14  }
0x31: {  	s30 =	simm.s32 $0x800;
	s19 =	sadd.s32 $0x500, s12;
	[smem:$0x7F5] =	sst s18  }
0x32: {  	s31 =	simm.s32 $0x1000;
	s20 =	sadd.s32 $0x780, s12;
	[smem:$0x7F6] =	sst s19  }
0x33: {  	s22 =	sadd.s32 $0xA00, s12;
	s23 =	sadd.s32 $0xC80, s12;
	[smem:$0x7F7] =	sst s20  }
0x34: {  	s24 =	sadd.s32 $0xF00, s12;
	s25 =	sadd.s32 $0x1180, s12;
	[smem:$0x7F8] =	sst s22  }
0x35: {  	s26 =	sadd.s32 $0x1400, s12;
	s28 =	sadd.s32 $0x1680, s12;
	[smem:$0x7F9] =	sst s23  }
0x36: {  	s12 =	simm.s32 $0x2;
	s0 =	simm.s32 $0x1800;
	[smem:$0x7FA] =	sst s24  }
0x37: {  	s8 =	simm.s32 $0x2000;
	s15 =	simm.s32 $0x3000;
	[smem:$0x7FB] =	sst s25  }
0x38: {  	s17 =	simm.s32 $0x4000;
	s16 =	sadd.s32 $0x1400, s5;
	[smem:$0x7FC] =	sst s26  }
0x39: {  	[smem:$0x7FD] =	sst s28;
	s14 =	simm.s32 $0x2800;
	s22 =	simm.s32 $0x1  }
0x3a: {  	s23 =	simm.s32 $0x4800;
	s24 =	simm.s32 $0x5000;
	s25 =	simm.s32 $0x5800  }
0x3b: {  	v0 =	vimm.f32 $0.0e+00;
	s5 =	simm.s32 $0x0;
	[smem:$0x7F3] =	sst s16;
	s16 =	simm.s32 $0x3800  }
.LBB2_1:
0x3c: {  	[smem:$0x7E7] =	sst s5  }
0x3d: {  	s4 =	rddreg [dreg:$0x9]  }
0x3e: {  	s18 =	rddreg [dreg:$0xa]  }
0x3f: {  	s13 =	rddreg [dreg:$0x16]  }
0x40: {  	[spmem:s13], [sflag:s18] =	dma.local [hbm:s4], $0x320  }
0x41: {  	_ =	swait.ge [sflag:s12], $0x320  }
0x42: {  	[sflag:s12] =	ssyncset.done $0x0;
	s19 =	rddreg [dreg:$0x17]  }
0x43: {  	s20 =	rddreg [dreg:$0x19];
	[sflag:s12] =	ssyncadd.s32 $0xFFFFFCE0  }
0x44: {  	[spmem:s19], [sflag:s18] =	dma.local [hbm:s20], $0x320  }
0x45: {  	_ =	swait.ge [sflag:s12], $0x320  }
0x46: {  	[sflag:s12] =	ssyncset.done $0x0;
	s26 =	rddreg [dreg:$0x18]  }
0x47: {  	s28 =	rddreg [dreg:$0x1a];
	[sflag:s12] =	ssyncadd.s32 $0xFFFFFCE0  }
0x48: {  	[spmem:s26], [sflag:s18] =	dma.local [hbm:s28], $0x320  }
0x49: {  	_ =	swait.ge [sflag:s12], $0x320  }
0x4a: {  	[sflag:s12] =	ssyncset.done $0x0  }
0x4b: {  	[sflag:s12] =	ssyncadd.s32 $0xFFFFFCE0  }
0x4c: {  	[tilespmem:$0x6800] =	vst v0  }
0x4d: {  	[tilespmem:$0x6810] =	vst v0  }
0x4e: {  	[tilespmem:$0x6820] =	vst v0  }
0x4f: {  	[tilespmem:$0x6830] =	vst v0  }
0x50: {  	[tilespmem:$0x6840] =	vst v0  }
0x51: {  	[tilespmem:$0x6850] =	vst v0  }
0x52: {  	[tilespmem:$0x6860] =	vst v0  }
0x53: {  	[tilespmem:$0x6870] =	vst v0  }
0x54: {  	[tilespmem:$0x6880] =	vst v0  }
0x55: {  	[tilespmem:$0x6890] =	vst v0  }
0x56: {  	[tilespmem:$0x68A0] =	vst v0  }
0x57: {  	[tilespmem:$0x68B0] =	vst v0  }
0x58: {  	[tilespmem:$0x68C0] =	vst v0  }
0x59: {  	[tilespmem:$0x68D0] =	vst v0  }
0x5a: {  	[tilespmem:$0x68E0] =	vst v0  }
0x5b: {  	[tilespmem:$0x68F0] =	vst v0  }
0x5c: {  	[tilespmem:$0x6900] =	vst v0  }
0x5d: {  	[tilespmem:$0x6910] =	vst v0  }
0x5e: {  	[tilespmem:$0x6920] =	vst v0  }
0x5f: {  	[tilespmem:$0x6930] =	vst v0  }
0x60: {  	[tilespmem:$0x6940] =	vst v0  }
0x61: {  	[tilespmem:$0x6950] =	vst v0  }
0x62: {  	[tilespmem:$0x6960] =	vst v0  }
0x63: {  	[tilespmem:$0x6970] =	vst v0  }
0x64: {  	[tilespmem:$0x6980] =	vst v0  }
0x65: {  	[tilespmem:$0x6990] =	vst v0  }
0x66: {  	[tilespmem:$0x69A0] =	vst v0  }
0x67: {  	[tilespmem:$0x69B0] =	vst v0  }
0x68: {  	[tilespmem:$0x69C0] =	vst v0  }
0x69: {  	[tilespmem:$0x69D0] =	vst v0  }
0x6a: {  	[tilespmem:$0x69E0] =	vst v0  }
0x6b: {  	[tilespmem:$0x69F0] =	vst v0  }
0x6c: {  	[tilespmem:$0x6A00] =	vst v0  }
0x6d: {  	[tilespmem:$0x6A10] =	vst v0  }
0x6e: {  	[tilespmem:$0x6A20] =	vst v0  }
0x6f: {  	[tilespmem:$0x6A30] =	vst v0  }
0x70: {  	[tilespmem:$0x6A40] =	vst v0  }
0x71: {  	[tilespmem:$0x6A50] =	vst v0  }
0x72: {  	[tilespmem:$0x6A60] =	vst v0  }
0x73: {  	s5 =	simm.s32 $0x6800;
	s13 =	rddreg [dreg:$0xf];
	[tilespmem:$0x6A70] =	vst v0  }
0x74: {  	[spmem:s13] =	stream.linear.scatter [tilespmem:s5], [sflag:$0x2], $0x280, $0x38;
	[tilespmem:$0x10080] =	vst v63  }
0x75: {  	_ =	swait.ge [sflag:s12], $0x280  }
0x76: {  	[sflag:s12] =	ssyncset.done $0x0  }
0x77: {  	s18 =	rddreg [dreg:$0x1b];
	[sflag:s12] =	ssyncadd.s32 $0xFFFFFD80  }
0x78: {  	[spmem:s18] =	stream.linear.scatter [tilespmem:s5], [sflag:$0x2], $0x280, $0x38;
	[tilespmem:$0x10080] =	vst v63  }
0x79: {  	_ =	swait.ge [sflag:s12], $0x280  }
0x7a: {  	[sflag:s12] =	ssyncset.done $0x0  }
0x7b: {  	s19 =	rddreg [dreg:$0x1c];
	[sflag:s12] =	ssyncadd.s32 $0xFFFFFD80  }
0x7c: {  	[spmem:s19] =	stream.linear.scatter [tilespmem:s5], [sflag:$0x2], $0x280, $0x38;
	[tilespmem:$0x10080] =	vst v63  }
0x7d: {  	_ =	swait.ge [sflag:s12], $0x280  }
0x7e: {  	[sflag:s12] =	ssyncset.done $0x0  }
0x7f: {  	s20 =	rddreg [dreg:$0x1d];
	[sflag:s12] =	ssyncadd.s32 $0xFFFFFD80  }
0x80: {  	[spmem:s20] =	stream.linear.scatter [tilespmem:s5], [sflag:$0x2], $0x280, $0x38;
	[tilespmem:$0x10080] =	vst v63  }
0x81: {  	_ =	swait.ge [sflag:s12], $0x280  }
0x82: {  	[sflag:s12] =	ssyncset.done $0x0  }
0x83: {  	s26 =	rddreg [dreg:$0x1e];
	[sflag:s12] =	ssyncadd.s32 $0xFFFFFD80  }
0x84: {  	[spmem:s26] =	stream.linear.scatter [tilespmem:s5], [sflag:$0x2], $0x280, $0x38;
	[tilespmem:$0x10080] =	vst v63  }
0x85: {  	_ =	swait.ge [sflag:s12], $0x280  }
0x86: {  	[sflag:s12] =	ssyncset.done $0x0  }
0x87: {  	s28 =	rddreg [dreg:$0x1f];
	[sflag:s12] =	ssyncadd.s32 $0xFFFFFD80  }
0x88: {  	[spmem:s28] =	stream.linear.scatter [tilespmem:s5], [sflag:$0x2], $0x280, $0x38;
	[tilespmem:$0x10080] =	vst v63  }
0x89: {  	_ =	swait.ge [sflag:s12], $0x280  }
0x8a: {  	s13 =	sld [smem:$0x7E8]  }
0x8b: {  	[sflag:s12] =	ssyncset.done $0x0  }
0x8c: {  	[sflag:s12] =	ssyncadd.s32 $0xFFFFFD80  }
0x8d: {  	[spmem:s13] =	stream.linear.scatter [tilespmem:s5], [sflag:$0x2], $0x280, $0x38;
	[tilespmem:$0x10080] =	vst v63  }
0x8e: {  	_ =	swait.ge [sflag:s12], $0x280  }
0x8f: {  	s18 =	sld [smem:$0x7E9]  }
0x90: {  	[sflag:s12] =	ssyncset.done $0x0  }
0x91: {  	[sflag:s12] =	ssyncadd.s32 $0xFFFFFD80  }
0x92: {  	[spmem:s18] =	stream.linear.scatter [tilespmem:s5], [sflag:$0x2], $0x280, $0x38;
	[tilespmem:$0x10080] =	vst v63  }
0x93: {  	_ =	swait.ge [sflag:s12], $0x280  }
0x94: {  	s19 =	sld [smem:$0x7EA]  }
0x95: {  	[sflag:s12] =	ssyncset.done $0x0  }
0x96: {  	[sflag:s12] =	ssyncadd.s32 $0xFFFFFD80  }
0x97: {  	[spmem:s19] =	stream.linear.scatter [tilespmem:s5], [sflag:$0x2], $0x280, $0x38;
	[tilespmem:$0x10080] =	vst v63  }
0x98: {  	_ =	swait.ge [sflag:s12], $0x280  }
0x99: {  	s20 =	sld [smem:$0x7EB]  }
0x9a: {  	[sflag:s12] =	ssyncset.done $0x0  }
0x9b: {  	[sflag:s12] =	ssyncadd.s32 $0xFFFFFD80  }
0x9c: {  	[spmem:s20] =	stream.linear.scatter [tilespmem:s5], [sflag:$0x2], $0x280, $0x38;
	[tilespmem:$0x10080] =	vst v63  }
0x9d: {  	_ =	swait.ge [sflag:s12], $0x280  }
0x9e: {  	[sflag:s12] =	ssyncset.done $0x0  }
0x9f: {  	s26 =	rddreg [dreg:$0x10];
	[sflag:s12] =	ssyncadd.s32 $0xFFFFFD80  }
0xa0: {  	[spmem:s26] =	stream.linear.scatter [tilespmem:s5], [sflag:$0x2], $0x280, $0x38;
	[tilespmem:$0x10080] =	vst v63  }
0xa1: {  	_ =	swait.ge [sflag:s12], $0x280  }
0xa2: {  	s28 =	sld [smem:$0x7EC]  }
0xa3: {  	[sflag:s12] =	ssyncset.done $0x0  }
0xa4: {  	[sflag:s12] =	ssyncadd.s32 $0xFFFFFD80  }
0xa5: {  	[spmem:s28] =	stream.linear.scatter [tilespmem:s5], [sflag:$0x2], $0x280, $0x38;
	[tilespmem:$0x10080] =	vst v63  }
0xa6: {  	_ =	swait.ge [sflag:s12], $0x280  }
0xa7: {  	s13 =	sld [smem:$0x7ED]  }
0xa8: {  	[sflag:s12] =	ssyncset.done $0x0  }
0xa9: {  	[sflag:s12] =	ssyncadd.s32 $0xFFFFFD80  }
0xaa: {  	[spmem:s13] =	stream.linear.scatter [tilespmem:s5], [sflag:$0x2], $0x280, $0x38;
	[tilespmem:$0x10080] =	vst v63  }
0xab: {  	_ =	swait.ge [sflag:s12], $0x280  }
0xac: {  	s18 =	sld [smem:$0x7EE]  }
0xad: {  	[sflag:s12] =	ssyncset.done $0x0  }
0xae: {  	[sflag:s12] =	ssyncadd.s32 $0xFFFFFD80  }
0xaf: {  	[spmem:s18] =	stream.linear.scatter [tilespmem:s5], [sflag:$0x2], $0x280, $0x38;
	[tilespmem:$0x10080] =	vst v63  }
0xb0: {  	_ =	swait.ge [sflag:s12], $0x280  }
0xb1: {  	s19 =	sld [smem:$0x7EF]  }
0xb2: {  	[sflag:s12] =	ssyncset.done $0x0  }
0xb3: {  	[sflag:s12] =	ssyncadd.s32 $0xFFFFFD80  }
0xb4: {  	[spmem:s19] =	stream.linear.scatter [tilespmem:s5], [sflag:$0x2], $0x280, $0x38;
	[tilespmem:$0x10080] =	vst v63  }
0xb5: {  	_ =	swait.ge [sflag:s12], $0x280  }
0xb6: {  	s20 =	sld [smem:$0x7F0]  }
0xb7: {  	[sflag:s12] =	ssyncset.done $0x0  }
0xb8: {  	[sflag:s12] =	ssyncadd.s32 $0xFFFFFD80  }
0xb9: {  	[spmem:s20] =	stream.linear.scatter [tilespmem:s5], [sflag:$0x2], $0x280, $0x38;
	[tilespmem:$0x10080] =	vst v63  }
0xba: {  	_ =	swait.ge [sflag:s12], $0x280  }
0xbb: {  	s26 =	sld [smem:$0x7F1]  }
0xbc: {  	[sflag:s12] =	ssyncset.done $0x0  }
0xbd: {  	[sflag:s12] =	ssyncadd.s32 $0xFFFFFD80  }
0xbe: {  	[spmem:s26] =	stream.linear.scatter [tilespmem:s5], [sflag:$0x2], $0x280, $0x38;
	[tilespmem:$0x10080] =	vst v63  }
0xbf: {  	_ =	swait.ge [sflag:s12], $0x280  }
0xc0: {  	s28 =	sld [smem:$0x7F2]  }
0xc1: {  	[sflag:s12] =	ssyncset.done $0x0  }
0xc2: {  	[sflag:s12] =	ssyncadd.s32 $0xFFFFFD80  }
0xc3: {  	[spmem:s28] =	stream.linear.scatter [tilespmem:s5], [sflag:$0x2], $0x280, $0x38;
	[tilespmem:$0x10080] =	vst v63  }
0xc4: {  	_ =	swait.ge [sflag:s12], $0x280  }
0xc5: {  	s13 =	sld [smem:$0x7F3]  }
0xc6: {  	[sflag:s12] =	ssyncset.done $0x0  }
0xc7: {  	[sflag:s12] =	ssyncadd.s32 $0xFFFFFD80  }
0xc8: {  	[spmem:s13] =	stream.linear.scatter [tilespmem:s5], [sflag:$0x2], $0x280, $0x38;
	[tilespmem:$0x10080] =	vst v63  }
0xc9: {  	_ =	swait.ge [sflag:s12], $0x280  }
0xca: {  	s18 =	sld [smem:$0x7F4]  }
0xcb: {  	[sflag:s12] =	ssyncset.done $0x0  }
0xcc: {  	[sflag:s12] =	ssyncadd.s32 $0xFFFFFD80  }
0xcd: {  	[spmem:s18] =	stream.linear.scatter [tilespmem:s5], [sflag:$0x2], $0x280, $0x38;
	[tilespmem:$0x10080] =	vst v63  }
0xce: {  	_ =	swait.ge [sflag:s12], $0x280  }
0xcf: {  	[sflag:s12] =	ssyncset.done $0x0  }
0xd0: {  	s19 =	rddreg [dreg:$0x11];
	[sflag:s12] =	ssyncadd.s32 $0xFFFFFD80  }
0xd1: {  	[spmem:s19] =	stream.linear.scatter [tilespmem:s5], [sflag:$0x2], $0x280, $0x38;
	[tilespmem:$0x10080] =	vst v63  }
0xd2: {  	_ =	swait.ge [sflag:s12], $0x280  }
0xd3: {  	s20 =	sld [smem:$0x7F5]  }
0xd4: {  	[sflag:s12] =	ssyncset.done $0x0  }
0xd5: {  	[sflag:s12] =	ssyncadd.s32 $0xFFFFFD80  }
0xd6: {  	[spmem:s20] =	stream.linear.scatter [tilespmem:s5], [sflag:$0x2], $0x280, $0x38;
	[tilespmem:$0x10080] =	vst v63  }
0xd7: {  	_ =	swait.ge [sflag:s12], $0x280  }
0xd8: {  	s26 =	sld [smem:$0x7F6]  }
0xd9: {  	[sflag:s12] =	ssyncset.done $0x0  }
0xda: {  	[sflag:s12] =	ssyncadd.s32 $0xFFFFFD80  }
0xdb: {  	[spmem:s26] =	stream.linear.scatter [tilespmem:s5], [sflag:$0x2], $0x280, $0x38;
	[tilespmem:$0x10080] =	vst v63  }
0xdc: {  	_ =	swait.ge [sflag:s12], $0x280  }
0xdd: {  	s28 =	sld [smem:$0x7F7]  }
0xde: {  	[sflag:s12] =	ssyncset.done $0x0  }
0xdf: {  	[sflag:s12] =	ssyncadd.s32 $0xFFFFFD80  }
0xe0: {  	[spmem:s28] =	stream.linear.scatter [tilespmem:s5], [sflag:$0x2], $0x280, $0x38;
	[tilespmem:$0x10080] =	vst v63  }
0xe1: {  	_ =	swait.ge [sflag:s12], $0x280  }
0xe2: {  	s13 =	sld [smem:$0x7F8]  }
0xe3: {  	[sflag:s12] =	ssyncset.done $0x0  }
0xe4: {  	[sflag:s12] =	ssyncadd.s32 $0xFFFFFD80  }
0xe5: {  	[spmem:s13] =	stream.linear.scatter [tilespmem:s5], [sflag:$0x2], $0x280, $0x38;
	[tilespmem:$0x10080] =	vst v63  }
0xe6: {  	_ =	swait.ge [sflag:s12], $0x280  }
0xe7: {  	s18 =	sld [smem:$0x7F9]  }
0xe8: {  	[sflag:s12] =	ssyncset.done $0x0  }
0xe9: {  	[sflag:s12] =	ssyncadd.s32 $0xFFFFFD80  }
0xea: {  	[spmem:s18] =	stream.linear.scatter [tilespmem:s5], [sflag:$0x2], $0x280, $0x38;
	[tilespmem:$0x10080] =	vst v63  }
0xeb: {  	_ =	swait.ge [sflag:s12], $0x280  }
0xec: {  	s19 =	sld [smem:$0x7FA]  }
0xed: {  	[sflag:s12] =	ssyncset.done $0x0  }
0xee: {  	[sflag:s12] =	ssyncadd.s32 $0xFFFFFD80  }
0xef: {  	[spmem:s19] =	stream.linear.scatter [tilespmem:s5], [sflag:$0x2], $0x280, $0x38;
	[tilespmem:$0x10080] =	vst v63  }
0xf0: {  	_ =	swait.ge [sflag:s12], $0x280  }
0xf1: {  	s20 =	sld [smem:$0x7FB]  }
0xf2: {  	[sflag:s12] =	ssyncset.done $0x0  }
0xf3: {  	[sflag:s12] =	ssyncadd.s32 $0xFFFFFD80  }
0xf4: {  	[spmem:s20] =	stream.linear.scatter [tilespmem:s5], [sflag:$0x2], $0x280, $0x38;
	[tilespmem:$0x10080] =	vst v63  }
0xf5: {  	_ =	swait.ge [sflag:s12], $0x280  }
0xf6: {  	s26 =	sld [smem:$0x7FC]  }
0xf7: {  	[sflag:s12] =	ssyncset.done $0x0  }
0xf8: {  	[sflag:s12] =	ssyncadd.s32 $0xFFFFFD80  }
0xf9: {  	[spmem:s26] =	stream.linear.scatter [tilespmem:s5], [sflag:$0x2], $0x280, $0x38;
	[tilespmem:$0x10080] =	vst v63  }
0xfa: {  	_ =	swait.ge [sflag:s12], $0x280  }
0xfb: {  	s28 =	sld [smem:$0x7FD]  }
0xfc: {  	[sflag:s12] =	ssyncset.done $0x0  }
0xfd: {  	[sflag:s12] =	ssyncadd.s32 $0xFFFFFD80  }
0xfe: {  	[spmem:s28] =	stream.linear.scatter [tilespmem:s5], [sflag:$0x2], $0x280, $0x38;
	[tilespmem:$0x10080] =	vst v63  }
0xff: {  	_ =	swait.ge [sflag:s12], $0x280  }
0x100: {  	[sflag:s12] =	ssyncset.done $0x0  }
0x101: {  	[sflag:s12] =	ssyncadd.s32 $0xFFFFFD80  }
0x102: {  	s18 =	simm.s32 $0x0;
	[bflag:$0x0] =	sbarrier.arrive $0xFFFF  }
.LBB2_2:
0x103: {  	s4 =	sshll.u32 s18, $0xB  }
0x104: {  	s4 =	sadd.s32 s21, s4  }
0x105: {  	s4 =	sshrl.u32 s4, $0x3  }
0x106: {  	s13 =	simm.s32 $0x0;
	s5 =	sadd.s32 s9, s4  }
0x107: {  	[tilespmem:s13], [sflag:$0x2] =	stream.linear.gather [hbm4b:s5+s13], $0x800, $0x38;
	[tilespmem:$0x10080] =	vst v63  }
0x108: {  	_ =	swait.ge [sflag:s12], $0x800  }
0x109: {  	[sflag:s12] =	ssyncset.done $0x0  }
0x10a: {  	s26 =	sadd.s32 s10, s4;
	[sflag:s12] =	ssyncadd.s32 $0xFFFFF800  }
0x10b: {  	[tilespmem:s30], [sflag:$0x2] =	stream.linear.gather [hbm4b:s26+s13], $0x800, $0x38;
	[tilespmem:$0x10080] =	vst v63  }
0x10c: {  	_ =	swait.ge [sflag:s12], $0x800  }
0x10d: {  	[sflag:s12] =	ssyncset.done $0x0  }
0x10e: {  	s4 =	sadd.s32 s11, s4;
	[sflag:s12] =	ssyncadd.s32 $0xFFFFF800  }
0x10f: {  	[tilespmem:s31], [sflag:$0x2] =	stream.linear.gather [hbm4b:s4+s13], $0x800, $0x38;
	[tilespmem:$0x10080] =	vst v63  }
0x110: {  	_ =	swait.ge [sflag:s12], $0x800  }
0x111: {  	[sflag:s12] =	ssyncset.done $0x0  }
0x112: {  	[sflag:s12] =	ssyncadd.s32 $0xFFFFF800  }
0x113: {  	[tilespmem:s0], [sflag:$0x1] =	stream.indirect.gather [spmem:s1], $0x1, s13, s30, $0xb8;
	[tilespmem:$0x10080] =	vst v63  }
0x114: {  	_ = 	snop  }
0x115: {  	[tilespmem:s8], [sflag:$0x1] =	stream.indirect.gather [spmem:s2], $0x1, s13, s30, $0xb8;
	[tilespmem:$0x10080] =	vst v63  }
0x116: {  	_ = 	snop  }
0x117: {  	[tilespmem:s14], [sflag:$0x1] =	stream.indirect.gather [spmem:s3], $0x1, s13, s30, $0xb8;
	[tilespmem:$0x10080] =	vst v63  }
0x118: {  	_ = 	snop  }
0x119: {  	[tilespmem:s15], [sflag:$0x1] =	stream.indirect.gather [spmem:s1], $0x1, s30, s30, $0xb8;
	[tilespmem:$0x10080] =	vst v63  }
0x11a: {  	_ = 	snop  }
0x11b: {  	[tilespmem:s16], [sflag:$0x1] =	stream.indirect.gather [spmem:s2], $0x1, s30, s30, $0xb8;
	[tilespmem:$0x10080] =	vst v63  }
0x11c: {  	_ = 	snop  }
0x11d: {  	[tilespmem:s17], [sflag:$0x1] =	stream.indirect.gather [spmem:s3], $0x1, s30, s30, $0xb8;
	[tilespmem:$0x10080] =	vst v63  }
0x11e: {  	_ =	swait.ge [sflag:s22], $0x800  }
0x11f: {  	[sflag:s22] =	ssyncset.done $0x0  }
0x120: {  	[sflag:s22] =	ssyncadd.s32 $0xFFFFF800  }
0x121: {  	_ =	swait.ge [sflag:s22], $0x800  }
0x122: {  	[sflag:s22] =	ssyncset.done $0x0  }
0x123: {  	[sflag:s22] =	ssyncadd.s32 $0xFFFFF800  }
0x124: {  	_ =	swait.ge [sflag:s22], $0x800  }
0x125: {  	[sflag:s22] =	ssyncset.done $0x0  }
0x126: {  	[sflag:s22] =	ssyncadd.s32 $0xFFFFF800  }
0x127: {  	_ =	swait.ge [sflag:s22], $0x800  }
0x128: {  	[sflag:s22] =	ssyncset.done $0x0  }
0x129: {  	[sflag:s22] =	ssyncadd.s32 $0xFFFFF800  }
0x12a: {  	_ =	swait.ge [sflag:s22], $0x800  }
0x12b: {  	[sflag:s22] =	ssyncset.done $0x0  }
0x12c: {  	[sflag:s22] =	ssyncadd.s32 $0xFFFFF800  }
0x12d: {  	_ =	swait.ge [sflag:s22], $0x800  }
0x12e: {  	[sflag:s22] =	ssyncset.done $0x0  }
0x12f: {  	s13 =	simm.s32 $0x0;
	[sflag:s22] =	ssyncadd.s32 $0xFFFFF800  }
0x130: {  	v1 =	vld [tilespmem:s13+$0x1800]  }
0x131: {  	v2 =	vld [tilespmem:s13+$0x2000]  }
0x132: {  	v3 =	vld [tilespmem:s13+$0x3000]  }
0x133: {  	v4 =	vld [tilespmem:s13+$0x3800]  }
0x134: {  	v5 =	vld [tilespmem:s13+$0x2800]  }
0x135: {  	v6 =	vld [tilespmem:s13+$0x4000];
	_ =	sdelay $0x2  }
0x136: {  	v17 =	vsub.f32 v1, v3;
	v16 =	vsub.f32 v2, v4;
	_ =	sdelay $0x1  }
0x137: {  	s19 =	simm.s32 $0x10;
	v21 =	vsub.f32 v5, v6;
	v1 =	vmul.f32 v17, v17;
	v2 =	vmul.f32 v16, v16  }
0x138: {  	v7 =	vld [tilespmem:s19+$0x4000]  }
0x139: {  	v3 =	vld [tilespmem:s19+$0x1800];
	v1 =	vadd.f32 v2, v1;
	v2 =	vmul.f32 v21, v21  }
0x13a: {  	v4 =	vld [tilespmem:s19+$0x2000]  }
0x13b: {  	v8 =	vadd.f32 v2, v1;
	v1 =	vld [tilespmem:s19+$0x3000]  }
0x13c: {  	v2 =	vld [tilespmem:s19+$0x3800]  }
0x13d: {  	v6 =	vld [tilespmem:s19+$0x2800];
	v5 =	vshra.s32 v8, $0x1;
	v9 =	vmul.f32 $5.000000000e-01, v8  }
0x13e: {  	v10 =	vsub.s32 $0x5F3759DF, v5  }
0x13f: {  	v5 =	vmul.f32 v10, v9;
	_ =	sdelay $0x1  }
0x140: {  	v2 =	vsub.f32 v4, v2;
	v11 =	vmul.f32 v10, v5;
	v5 =	vsub.f32 v3, v1  }
0x141: {  	v7 =	vsub.f32 v6, v7  }
0x142: {  	s20 =	simm.s32 $0x20;
	v4 =	vmul.f32 v2, v2;
	v1 =	vsub.f32 $1.500000000e+00, v11;
	v3 =	vmul.f32 v5, v5  }
0x143: {  	v6 =	vld [tilespmem:s20+$0x1800]  }
0x144: {  	v11 =	vld [tilespmem:s20+$0x3000];
	v10 =	vmul.f32 v10, v1;
	v1 =	vadd.f32 v4, v3;
	v3 =	vmul.f32 v7, v7  }
0x145: {  	v4 =	vld [tilespmem:s20+$0x2000]  }
0x146: {  	v12 =	vmul.f32 v10, v9;
	v22 =	vadd.f32 v3, v1;
	v1 =	vld [tilespmem:s20+$0x3800]  }
0x147: {  	v13 =	vld [tilespmem:s20+$0x2800]  }
0x148: {  	v3 =	vmul.f32 v12, v10;
	v12 =	vld [tilespmem:s20+$0x4000];
	v14 =	vshra.s32 v22, $0x1;
	v15 =	vmul.f32 $5.000000000e-01, v22  }
0x149: {  	v14 =	vsub.s32 $0x5F3759DF, v14  }
0x14a: {  	v18 =	vsub.f32 $1.500000000e+00, v3;
	v19 =	vmul.f32 v14, v15  }
0x14b: {  	v3 =	vsub.f32 v6, v11;
	v1 =	vsub.f32 v4, v1  }
0x14c: {  	v4 =	vmul.f32 v18, v10;
	v10 =	vmul.f32 v14, v19  }
0x14d: {  	s26 =	simm.s32 $0x30;
	v11 =	vmul.f32 v3, v3;
	v6 =	vsub.f32 v13, v12;
	v12 =	vmul.f32 v1, v1  }
0x14e: {  	v23 =	vld [tilespmem:s26+$0x4000];
	v9 =	vmul.f32 v4, v9;
	v10 =	vsub.f32 $1.500000000e+00, v10  }
0x14f: {  	v18 =	vld [tilespmem:s26+$0x1800];
	v11 =	vadd.f32 v12, v11;
	v12 =	vmul.f32 v6, v6  }
0x150: {  	v19 =	vld [tilespmem:s26+$0x2000];
	v9 =	vmul.f32 v9, v4;
	v10 =	vmul.f32 v14, v10  }
0x151: {  	v14 =	vld [tilespmem:s26+$0x3000];
	v13 =	vadd.f32 v12, v11  }
0x152: {  	v11 =	vld [tilespmem:s26+$0x3800];
	v9 =	vsub.f32 $1.500000000e+00, v9;
	v20 =	vmul.f32 v10, v15  }
0x153: {  	v12 =	vld [tilespmem:s26+$0x2800];
	v24 =	vshra.s32 v13, $0x1;
	v25 =	vmul.f32 $5.000000000e-01, v13  }
0x154: {  	v4 =	vmul.f32 v9, v4;
	v9 =	vmul.f32 v20, v10;
	v20 =	vsub.s32 $0x5F3759DF, v24  }
0x155: {  	v24 =	vmul.f32 v20, v25  }
0x156: {  	v26 =	vmul.f32 v4, v8;
	v8 =	vsub.f32 v18, v14  }
0x157: {  	v4 =	vsub.f32 v19, v11;
	v11 =	vsub.f32 $1.500000000e+00, v9;
	v14 =	vmul.f32 v20, v24  }
0x158: {  	v9 =	vsub.f32 v12, v23;
	v18 =	vadd.f32 $9.999999970e-07, v26;
	v12 =	vmul.f32 v8, v8  }
0x159: {  	s28 =	simm.s32 $0x40;
	v19 =	vmul.f32 v4, v4;
	v10 =	vmul.f32 v11, v10;
	v11 =	vsub.f32 $1.500000000e+00, v14  }
0x15a: {  	v29 =	vld [tilespmem:s28+$0x4000];
	v14 =	vmul.f32 v9, v9;
	(erf) = vrcp.f32 v18  }
0x15b: {  	v23 =	vld [tilespmem:s28+$0x2800];
	v12 =	vadd.f32 v19, v12;
	v15 =	vmul.f32 v10, v15;
	v19 =	vmul.f32 v20, v11  }
0x15c: {  	v18 =	vld [tilespmem:s28+$0x1800]  }
0x15d: {  	v20 =	vld [tilespmem:s28+$0x3000];
	v14 =	vadd.f32 v14, v12;
	v12 =	vmul.f32 v15, v10;
	v24 =	vmul.f32 v19, v25  }
0x15e: {  	v26 =	vld [tilespmem:s28+$0x3800]  }
0x15f: {  	v11 =	vld [tilespmem:s28+$0x2000];
	v12 =	vsub.f32 $1.500000000e+00, v12;
	v24 =	vmul.f32 v24, v19  }
0x160: {  	v28 =	vld [tilespmem:s13+$0x1000];
	v27 =	vshra.s32 v14, $0x1;
	v15 =	vmul.f32 $5.000000000e-01, v14  }
0x161: {  	v27 =	vsub.s32 $0x5F3759DF, v27;
	v31 =	vmul.f32 v12, v10;
	v12 =	vsub.f32 $1.500000000e+00, v24  }
0x162: {  	v30 =	vmul.f32 v27, v15;
	v10 =	vsub.f32 v18, v20  }
0x163: {  	v19 =	vmul.f32 v12, v19;
	v12 =	vsub.f32 v23, v29;
	v29 =	vmul.f32 v31, v22  }
0x164: {  	v11 =	vsub.f32 v11, v26;
	v24 =	vmul.f32 v27, v30;
	v18 =	vpop (erf)  }
0x165: {  	s4 =	simm.s32 $0x50;
	v23 =	vmul.f32 v10, v10;
	v26 =	vmul.f32 v18, v28;
	v29 =	vadd.f32 $9.999999970e-07, v29  }
0x166: {  	v20 =	vld [tilespmem:s4+$0x4000];
	v28 =	vmul.f32 v11, v11;
	v24 =	vsub.f32 $1.500000000e+00, v24;
	v25 =	vmul.f32 v19, v25  }
0x167: {  	v22 =	vld [tilespmem:s4+$0x1800];
	v61 =	vmul.f32 v26, v21;
	(erf) = vrcp.f32 v29  }
0x168: {  	v18 =	vld [tilespmem:s4+$0x2800];
	v28 =	vadd.f32 v28, v23;
	v21 =	vmul.f32 v27, v24;
	v27 =	vmul.f32 v12, v12  }
0x169: {  	v23 =	vld [tilespmem:s4+$0x2000];
	v63 =	vmul.f32 v26, v17;
	v62 =	vmul.f32 v25, v19;
	[tilespmem:s13+$0x5800] =	vst v61  }
0x16a: {  	v16 =	vmul.f32 v26, v16;
	v17 =	vadd.f32 v27, v28;
	v27 =	vmul.f32 v21, v15;
	v24 =	vld [tilespmem:s4+$0x3000]  }
0x16b: {  	s5 =	simm.s32 $0x180;
	v25 =	vld [tilespmem:s4+$0x3800];
	v26 =	vsub.f32 $1.500000000e+00, v62;
	[tilespmem:s13+$0x4800] =	vst v63  }
.LBB2_3:
0x16c: {  	p1 =	sne.s32 s5, $0x1FC0;
	v28 =	vshra.s32 v17, $0x1;
	v29 =	vmul.f32 $5.000000000e-01, v17;
	v27 =	vmul.f32 v27, v21;
	v30 =	vld [tilespmem:s19+$0x1000];
	[tilespmem:s13+$0x5000] =	vst v16;
	v31 =	vmovc v11;
	s13 =	smov.u32 s19;
	s19 =	smov.u32 s20  }
0x16d: {  	s20 =	smov.u32 s26;
	s26 =	smov.u32 s28;
	s28 =	smov.u32 s4;
	v16 =	vsub.s32 $0x5F3759DF, v28;
	v11 =	vmul.f32 v26, v19  }
0x16e: {  	v19 =	vmul.f32 v16, v29;
	v26 =	vsub.f32 $1.500000000e+00, v27  }
0x16f: {  	v28 =	vsub.f32 v22, v24;
	v24 =	vsub.f32 v18, v20;
	v18 =	vmul.f32 v11, v13;
	v13 =	vmovc v14  }
0x170: {  	v11 =	vsub.f32 v23, v25;
	v20 =	vmul.f32 v16, v19;
	v19 =	vmul.f32 v26, v21;
	v14 =	vpop (erf)  }
0x171: {  	s4 =	sshra.s32 s5, $0x2;
	v21 =	vmul.f32 v28, v28;
	v22 =	vadd.f32 $9.999999970e-07, v18;
	v25 =	vmul.f32 v14, v30;
	v14 =	vmovc v17  }
0x172: {  	v18 =	vld [tilespmem:s4+$0x2800];
	v17 =	vmul.f32 v11, v11;
	v23 =	vsub.f32 $1.500000000e+00, v20;
	v26 =	vmul.f32 v19, v15;
	v15 =	vmovc v29  }
.Ltmp0:
0x173: {  	v20 =	vld [tilespmem:s4+$0x4000];
	(erf) = vrcp.f32 v22;
	v27 =	vmul.f32 v25, v7;
	v7 =	vmovc v6;
	v6 =	vmovc v9;
	v9 =	vmov v12;
	(pc) =	sbr.rel @p1 .LBB2_3-.Ltmp0, $4  }
0x174: {  	v29 =	vmul.f32 v24, v24;
	v12 =	vmovc v24;
	v22 =	vld [tilespmem:s4+$0x1800];
	v17 =	vadd.f32 v17, v21;
	v21 =	vmul.f32 v16, v23  }
0x175: {  	v30 =	vmul.f32 v25, v5;
	v5 =	vmovc v3;
	v3 =	vmov v8;
	v26 =	vmul.f32 v26, v19;
	v23 =	vld [tilespmem:s4+$0x2000];
	[tilespmem:s13+$0x5800] =	vst v27  }
0x176: {  	v8 =	vmovc v10;
	v16 =	vmul.f32 v25, v2;
	v24 =	vld [tilespmem:s4+$0x3000];
	v17 =	vadd.f32 v29, v17;
	v27 =	vmul.f32 v21, v15  }
0x177: {  	s5 =	sadd.s32 $0x40, s5;
	v10 =	vmovc v28;
	v2 =	vmovc v1;
	v1 =	vmov v4;
	v4 =	vmov v31;
	v26 =	vsub.f32 $1.500000000e+00, v26;
	v25 =	vld [tilespmem:s4+$0x3800];
	[tilespmem:s13+$0x4800] =	vst v30  }
0x178: {  	_ = 	snop  }
0x179: {  	v28 =	vshra.s32 v17, $0x1;
	v29 =	vmul.f32 $5.000000000e-01, v17;
	v27 =	vmul.f32 v27, v21  }
0x17a: {  	v28 =	vsub.s32 $0x5F3759DF, v28;
	v19 =	vmul.f32 v26, v19  }
0x17b: {  	v30 =	vld [tilespmem:s19+$0x1000];
	v39 =	vmul.f32 v28, v29;
	v27 =	vsub.f32 $1.500000000e+00, v27  }
0x17c: {  	v22 =	vsub.f32 v22, v24;
	v13 =	vmul.f32 v19, v13;
	v40 =	vsub.f32 v23, v25  }
0x17d: {  	v18 =	vsub.f32 v18, v20;
	v41 =	vmul.f32 v28, v39;
	v42 =	vmul.f32 v27, v21  }
0x17e: {  	v24 =	vmul.f32 v22, v22;
	v25 =	vmul.f32 v40, v40  }
0x17f: {  	v44 =	vmul.f32 v18, v18;
	v43 =	vpop (erf);
	v13 =	vadd.f32 $9.999999970e-07, v13;
	v23 =	vsub.f32 $1.500000000e+00, v41  }
0x180: {  	v20 =	vmul.f32 v43, v30;
	v15 =	vmul.f32 v42, v15;
	v24 =	vadd.f32 v25, v24  }
0x181: {  	(erf) = vrcp.f32 v13;
	v45 =	vmul.f32 v28, v23  }
0x182: {  	v7 =	vmul.f32 v20, v7;
	v15 =	vmul.f32 v15, v42;
	v46 =	vadd.f32 v44, v24  }
0x183: {  	[tilespmem:s13+$0x5000] =	vst v16;
	v5 =	vmul.f32 v20, v5;
	v47 =	vmul.f32 v45, v29  }
0x184: {  	[tilespmem:s19+$0x5800] =	vst v7;
	v48 =	vsub.f32 $1.500000000e+00, v15;
	v49 =	vshra.s32 v46, $0x1;
	v24 =	vmul.f32 $5.000000000e-01, v46  }
0x185: {  	[tilespmem:s19+$0x4800] =	vst v5;
	v50 =	vmul.f32 v47, v45;
	v15 =	vsub.s32 $0x5F3759DF, v49  }
0x186: {  	v51 =	vld [tilespmem:s20+$0x1000];
	v7 =	vmul.f32 v48, v42;
	v52 =	vmul.f32 v15, v24  }
0x187: {  	v5 =	vsub.f32 $1.500000000e+00, v50  }
0x188: {  	v7 =	vmul.f32 v7, v14;
	v53 =	vmul.f32 v15, v52  }
0x189: {  	v5 =	vmul.f32 v5, v45  }
0x18a: {  	v2 =	vmul.f32 v20, v2;
	v54 =	vpop (erf);
	v7 =	vadd.f32 $9.999999970e-07, v7;
	v14 =	vsub.f32 $1.500000000e+00, v53  }
0x18b: {  	v13 =	vmul.f32 v54, v51;
	v55 =	vmul.f32 v5, v29  }
0x18c: {  	(erf) = vrcp.f32 v7;
	v56 =	vmul.f32 v15, v14  }
0x18d: {  	v6 =	vmul.f32 v13, v6;
	v57 =	vmul.f32 v55, v5  }
0x18e: {  	[tilespmem:s19+$0x5000] =	vst v2;
	v2 =	vmul.f32 v13, v3;
	v3 =	vmul.f32 v56, v24  }
0x18f: {  	[tilespmem:s20+$0x5800] =	vst v6;
	v58 =	vsub.f32 $1.500000000e+00, v57  }
0x190: {  	[tilespmem:s20+$0x4800] =	vst v2;
	v2 =	vmul.f32 v3, v56  }
0x191: {  	v3 =	vld [tilespmem:s26+$0x1000];
	v5 =	vmul.f32 v58, v5  }
0x192: {  	v2 =	vsub.f32 $1.500000000e+00, v2  }
0x193: {  	v5 =	vmul.f32 v5, v17  }
0x194: {  	v2 =	vmul.f32 v2, v56  }
0x195: {  	v59 =	vpop (erf);
	v5 =	vadd.f32 $9.999999970e-07, v5  }
0x196: {  	v3 =	vmul.f32 v59, v3;
	v60 =	vmul.f32 v2, v24  }
0x197: {  	v1 =	vmul.f32 v13, v1;
	(erf) = vrcp.f32 v5  }
0x198: {  	v61 =	vmul.f32 v3, v9;
	v6 =	vmul.f32 v60, v2  }
0x199: {  	[tilespmem:s20+$0x5000] =	vst v1;
	v1 =	vmul.f32 v3, v8  }
0x19a: {  	[tilespmem:s26+$0x5800] =	vst v61;
	v62 =	vsub.f32 $1.500000000e+00, v6  }
0x19b: {  	[tilespmem:s26+$0x4800] =	vst v1  }
0x19c: {  	v1 =	vld [tilespmem:s28+$0x1000];
	v2 =	vmul.f32 v62, v2;
	_ =	sdelay $0x1  }
0x19d: {  	v2 =	vmul.f32 v2, v46;
	_ =	sdelay $0x1  }
0x19e: {  	v63 =	vpop (erf);
	v2 =	vadd.f32 $9.999999970e-07, v2  }
0x19f: {  	v1 =	vmul.f32 v63, v1  }
0x1a0: {  	v3 =	vmul.f32 v3, v4;
	(erf) = vrcp.f32 v2  }
0x1a1: {  	v2 =	vmul.f32 v1, v12  }
0x1a2: {  	[tilespmem:s26+$0x5000] =	vst v3;
	v3 =	vmul.f32 v1, v10  }
0x1a3: {  	[tilespmem:s28+$0x5800] =	vst v2  }
0x1a4: {  	[tilespmem:s28+$0x4800] =	vst v3  }
0x1a5: {  	v2 =	vld [tilespmem:s4+$0x1000];
	_ =	sdelay $0x3  }
0x1a6: {  	v3 =	vpop (erf)  }
0x1a7: {  	v2 =	vmul.f32 v3, v2  }
0x1a8: {  	v1 =	vmul.f32 v1, v11  }
0x1a9: {  	v3 =	vmul.f32 v2, v18  }
0x1aa: {  	[tilespmem:s28+$0x5000] =	vst v1;
	v1 =	vmul.f32 v2, v22  }
0x1ab: {  	v2 =	vmul.f32 v2, v40;
	[tilespmem:s4+$0x5800] =	vst v3  }
0x1ac: {  	[tilespmem:s4+$0x4800] =	vst v1  }
0x1ad: {  	s28 =	rddreg [dreg:$0x5];
	[tilespmem:s4+$0x5000] =	vst v2  }
0x1ae: {  	[spmem:s28] =	stream.indirect.scatter.add.f32 [tilespmem:s23], [sflag:$0x1], $0x1, s7, s30, $0xb8;
	[tilespmem:$0x10080] =	vst v63  }
0x1af: {  	_ = 	snop  }
0x1b0: {  	[spmem:s29] =	stream.indirect.scatter.add.f32 [tilespmem:s24], [sflag:$0x1], $0x1, s7, s30, $0xb8;
	[tilespmem:$0x10080] =	vst v63  }
0x1b1: {  	_ = 	snop  }
0x1b2: {  	[spmem:s6] =	stream.indirect.scatter.add.f32 [tilespmem:s25], [sflag:$0x1], $0x1, s7, s30, $0xb8;
	[tilespmem:$0x10080] =	vst v63  }
0x1b3: {  	_ =	swait.ge [sflag:s22], $0x800  }
0x1b4: {  	[sflag:s22] =	ssyncset.done $0x0  }
0x1b5: {  	s18 =	sadd.s32 $0x1, s18;
	[sflag:s22] =	ssyncadd.s32 $0xFFFFF800  }
0x1b6: {  	p1 =	sne.s32 s18, $0x19;
	_ =	swait.ge [sflag:s22], $0x800  }
.Ltmp1:
0x1b7: {  	[sflag:s22] =	ssyncset.done $0x0;
	(pc) =	sbr.rel @p1 .LBB2_2-.Ltmp1, $4  }
0x1b8: {  	[sflag:s22] =	ssyncadd.s32 $0xFFFFF800  }
0x1b9: {  	_ =	swait.ge [sflag:s22], $0x800  }
0x1ba: {  	[sflag:s22] =	ssyncset.done $0x0  }
0x1bb: {  	[sflag:s22] =	ssyncadd.s32 $0xFFFFF800  }
0x1bc: {  	[bflag:$0x0] =	sbarrier.arrive $0xFFFF  }
0x1bd: {  	s5 =	simm.s32 $0x6000;
	s4 =	rddreg [dreg:$0xb]  }
0x1be: {  	[tilespmem:s5], [sflag:$0x2] =	stream.linear.gather [hbm4b:s4+s7], $0x800, $0x38;
	[tilespmem:$0x10080] =	vst v63  }
0x1bf: {  	_ =	swait.ge [sflag:s12], $0x800  }
0x1c0: {  	[sflag:s12] =	ssyncset.done $0x0  }
0x1c1: {  	[sflag:s12] =	ssyncadd.s32 $0xFFFFF800  }
0x1c2: {  	s28 =	rddreg [dreg:$0x5]  }
0x1c3: {  	[tilespmem:s0], [sflag:$0x1] =	stream.indirect.gather [spmem:s28], $0x1, s5, s30, $0xb8;
	[tilespmem:$0x10080] =	vst v63  }
0x1c4: {  	_ = 	snop  }
0x1c5: {  	[tilespmem:s8], [sflag:$0x1] =	stream.indirect.gather [spmem:s29], $0x1, s5, s30, $0xb8;
	[tilespmem:$0x10080] =	vst v63  }
0x1c6: {  	_ = 	snop  }
0x1c7: {  	[tilespmem:s14], [sflag:$0x1] =	stream.indirect.gather [spmem:s6], $0x1, s5, s30, $0xb8;
	[tilespmem:$0x10080] =	vst v63  }
0x1c8: {  	_ =	swait.ge [sflag:s22], $0x800  }
0x1c9: {  	[sflag:s22] =	ssyncset.done $0x0  }
0x1ca: {  	[sflag:s22] =	ssyncadd.s32 $0xFFFFF800  }
0x1cb: {  	_ =	swait.ge [sflag:s22], $0x800  }
0x1cc: {  	[sflag:s22] =	ssyncset.done $0x0  }
0x1cd: {  	[sflag:s22] =	ssyncadd.s32 $0xFFFFF800  }
0x1ce: {  	_ =	swait.ge [sflag:s22], $0x800  }
0x1cf: {  	s4 =	simm.s32 @!p0 $0x0;
	[sflag:s22] =	ssyncset.done $0x0  }
0x1d0: {  	s5 =	simm.s32 @!p0 $0x1800;
	s13 =	rddreg [dreg:$0x12];
	[sflag:s22] =	ssyncadd.s32 $0xFFFFF800  }
0x1d1: {  	[hbm4b:s13+s4] =	stream.linear.scatter @!p0 [tilespmem:s5], [sflag:$0x2], $0x800, $0x38;
	[tilespmem:$0x10080] =	vst v63  }
0x1d2: {  	s5 =	simm.s32 @!p0 $0x2  }
0x1d3: {  	_ =	swait.ge @!p0 [sflag:s5], $0x800  }
0x1d4: {  	[sflag:s5] =	ssyncset.done @!p0 $0x0  }
0x1d5: {  	s13 =	simm.s32 @!p0 $0x2000;
	s18 =	rddreg [dreg:$0x13];
	[sflag:s5] =	ssyncadd.s32 @!p0 $0xFFFFF800  }
0x1d6: {  	[hbm4b:s18+s4] =	stream.linear.scatter @!p0 [tilespmem:s13], [sflag:$0x2], $0x800, $0x38;
	[tilespmem:$0x10080] =	vst v63  }
0x1d7: {  	_ =	swait.ge @!p0 [sflag:s5], $0x800  }
0x1d8: {  	[sflag:s5] =	ssyncset.done @!p0 $0x0  }
0x1d9: {  	s13 =	simm.s32 @!p0 $0x2800;
	s18 =	rddreg [dreg:$0x14];
	[sflag:s5] =	ssyncadd.s32 @!p0 $0xFFFFF800  }
0x1da: {  	[hbm4b:s18+s4] =	stream.linear.scatter @!p0 [tilespmem:s13], [sflag:$0x2], $0x800, $0x38;
	[tilespmem:$0x10080] =	vst v63  }
0x1db: {  	_ =	swait.ge @!p0 [sflag:s5], $0x800  }
0x1dc: {  	s4 =	simm.s32 @!p0 $0x800;
	[sflag:s5] =	ssyncset.done @!p0 $0x0  }
0x1dd: {  	s13 =	simm.s32 @!p0 $0x3000;
	[sflag:s5] =	ssyncadd.s32 @!p0 $0xFFFFF800;
	s5 =	simm.s32 @!p0 $0x6000  }
0x1de: {  	[tilespmem:s13], [sflag:$0x1] =	stream.indirect.gather @!p0 [spmem:s1], $0x1, s5, s4, $0xb8;
	[tilespmem:$0x10080] =	vst v63  }
0x1df: {  	s18 =	simm.s32 @!p0 $0x3800  }
0x1e0: {  	[tilespmem:s18], [sflag:$0x1] =	stream.indirect.gather @!p0 [spmem:s2], $0x1, s5, s4, $0xb8;
	[tilespmem:$0x10080] =	vst v63  }
0x1e1: {  	s19 =	simm.s32 @!p0 $0x4000  }
0x1e2: {  	[tilespmem:s19], [sflag:$0x1] =	stream.indirect.gather @!p0 [spmem:s3], $0x1, s5, s4, $0xb8;
	[tilespmem:$0x10080] =	vst v63  }
0x1e3: {  	s4 =	simm.s32 @!p0 $0x1  }
0x1e4: {  	_ =	swait.ge @!p0 [sflag:s4], $0x800  }
0x1e5: {  	[sflag:s4] =	ssyncset.done @!p0 $0x0  }
0x1e6: {  	[sflag:s4] =	ssyncadd.s32 @!p0 $0xFFFFF800  }
0x1e7: {  	_ =	swait.ge @!p0 [sflag:s4], $0x800  }
0x1e8: {  	[sflag:s4] =	ssyncset.done @!p0 $0x0  }
0x1e9: {  	[sflag:s4] =	ssyncadd.s32 @!p0 $0xFFFFF800  }
0x1ea: {  	_ =	swait.ge @!p0 [sflag:s4], $0x800  }
0x1eb: {  	[sflag:s4] =	ssyncset.done @!p0 $0x0  }
0x1ec: {  	s13 =	simm.s32 @p0 $0x1800;
	s5 =	rddreg [dreg:$0xe];
	[sflag:s4] =	ssyncadd.s32 @!p0 $0xFFFFF800  }
0x1ed: {  	[hbm4b:s5+s7] =	stream.linear.scatter [tilespmem:s13], [sflag:$0x2], $0x800, $0x38;
	[tilespmem:$0x10080] =	vst v63  }
0x1ee: {  	_ =	swait.ge [sflag:s12], $0x800  }
0x1ef: {  	[sflag:s12] =	ssyncset.done $0x0  }
0x1f0: {  	s18 =	simm.s32 @p0 $0x2000;
	s13 =	rddreg [dreg:$0xd];
	[sflag:s12] =	ssyncadd.s32 $0xFFFFF800  }
0x1f1: {  	[hbm4b:s13+s7] =	stream.linear.scatter [tilespmem:s18], [sflag:$0x2], $0x800, $0x38;
	[tilespmem:$0x10080] =	vst v63  }
0x1f2: {  	_ =	swait.ge [sflag:s12], $0x800  }
0x1f3: {  	[sflag:s12] =	ssyncset.done $0x0  }
0x1f4: {  	s19 =	simm.s32 @p0 $0x2800;
	s20 =	rddreg [dreg:$0xc];
	[sflag:s12] =	ssyncadd.s32 $0xFFFFF800  }
0x1f5: {  	[hbm4b:s20+s7] =	stream.linear.scatter [tilespmem:s19], [sflag:$0x2], $0x800, $0x38;
	[tilespmem:$0x10080] =	vst v63  }
0x1f6: {  	_ =	swait.ge [sflag:s12], $0x800  }
0x1f7: {  	s26 =	sld [smem:$0x7E7];
	_ =	sdelay $0x2  }
0x1f8: {  	s28 =	rddreg [dreg:$0x15];
	s5 =	sadd.s32 $0x1, s26  }
0x1f9: {  	p1 =	sne.s32 s5, s28  }
.Ltmp2:
0x1fa: {  	_ = 	snop;
	(pc) =	sbr.rel @p1 .LBB2_1-.Ltmp2, $3  }
0x1fb: {  	_ =	sdelay $0x1  }
0x1fc: {  	[sflag:s12] =	ssyncset.done $0x0  }
0x1fd: {  	[sflag:s12] =	ssyncadd.s32 $0xFFFFF800  }
0x1fe: {  	_ =	sfence.sel $0x180000  }
0x1ff: {  	[bflag:$0x0] =	sbarrier.arrive $0xFFFF  }
0x200: {  	_ =	strace $0x90000047  }
0x201: {  	s0 =	stileid.u32;
	[bflag:$0x2] =	sbarrier.arrive $0xFFFF  }
0x202: {  	p0 =	sne.s32 s0, $0x0;
	s0 =	rddreg [dreg:$0x8]  }
0x203: {  	s0 =	sadd.s32 @!p0 $0x100000, s0  }
0x204: {  	[sflag:s0] =	ssyncadd.tile.s32 @!p0 $0x1;
	_ =	shalt  }
.Lfunc_end2:
_tile_overlayer_lowered:
.L_overlay_start_2:
0x205: {  	(tag) =	ssettag $0x2  }
0x206: {  	s0 =	rddreg [dreg:$0x0];
	s2 =	stileid.u32  }
0x207: {  	s1 =	rddreg [dreg:$0x1];
	p0 =	sne.s32 s2, $0x0  }
0x208: {  	s3 =	rddreg [dreg:$0x2];
	[bflag:$0x3] =	sbarrier.arrive $0xFFFF;
	s2 =	simm.s32 @!p0 $0x1C02  }
0x209: {  	[timem:s3], [sflag:s2] =	dma.local @!p0 [hbm:s0], s1  }
0x20a: {  	s0 =	simm.s32 @!p0 $0x2  }
0x20b: {  	_ =	swait.ge @!p0 [sflag:s0], s1  }
0x20c: {  	s1 =	ssub.s32 @!p0 $0x0, s1;
	[sflag:s0] =	ssyncset.done @!p0 $0x0  }
0x20d: {  	[sflag:s0] =	ssyncadd.s32 @!p0 s1  }
0x20e: {  	[bflag:$0x3] =	sbarrier.arrive $0xFFFF  }
0x20f: {  	_ =	shalt  }

</sc_bundles>
